<compile_context>
chip_gen: v7x
topology: tpu7x:2x2x1
jax: 0.10.2.dev20260603
libtpu: 0.0.44.dev20260713+nightly
codegen_flags: <defaults>
</compile_context>

<pallas_src>
import functools

import jax
import jax.numpy as jnp
from jax import lax
from jax.experimental import pallas as pl
from jax.experimental.pallas import tpu as pltpu
from jax.experimental.pallas import tpu_sc as plsc

_EPS = 1e-06
_TINY = 1e-30
_NIMG = 4
_N = 4096
_D = 32
_SEG = 576
_GSEG = _NIMG * _SEG
_NW = 32
_CHUNK = (_NIMG * _N) // _NW
_RPT = (2 * _SEG) // 16


def _pmat_kernel(pred_ref, gt_ref, an_ref, p_ref):
    pred_t = pred_ref[0]
    gt = gt_ref[0]
    an = an_ref[0]
    na2 = jnp.sum(pred_t * pred_t, axis=0, keepdims=True)
    phat_t = pred_t * lax.rsqrt(jnp.maximum(na2, _TINY))
    c = an * 64 + gt
    seg_iota = jax.lax.broadcasted_iota(jnp.int32, (_SEG, 1), 0)
    memb = (c == seg_iota).astype(jnp.float32)
    p_ref[0] = jax.lax.dot_general(
        memb, phat_t, (((1,), (1,)), ((), ())),
        preferred_element_type=jnp.float32)


def _make_seg_call():
    mesh = plsc.VectorSubcoreMesh(core_axis_name="c", subcore_axis_name="s")

    @functools.partial(
        pl.kernel,
        mesh=mesh,
        out_type=(
            jax.ShapeDtypeStruct((2, 2 * _SEG, _D), jnp.float32),
            jax.ShapeDtypeStruct((2, 2 * _SEG, 16), jnp.float32),
        ),
        scratch_types=[
            pltpu.VMEM((_CHUNK, _D), jnp.float32),
            pltpu.VMEM((128, 16), jnp.float32),
            pltpu.VMEM((_RPT, _D), jnp.float32),
            pltpu.VMEM((_CHUNK,), jnp.int32),
            pltpu.VMEM((_CHUNK,), jnp.int32),
            pltpu.VMEM((4, 128), jnp.int32),
            pltpu.VMEM_SHARED((2 * _SEG, _D), jnp.float32),
            pltpu.VMEM_SHARED((2 * _SEG, 16), jnp.float32),
            pltpu.SemaphoreType.DMA,
        ],
    )
    def seg_kernel(pred_hbm, gt_hbm, an_hbm, out_s, out_c,
                   pred_v, e0_v, za_v, gt_v, an_v, idx_v,
                   table_s, table_c, sem):
        c = lax.axis_index("c")
        s = lax.axis_index("s")
        w = c * 16 + s
        base = w * _CHUNK
        gbase = (s // 8) * _SEG

        iota16 = lax.iota(jnp.int32, 16)
        zvec = jnp.zeros((16,), jnp.float32)
        e0vec = jnp.where(iota16 == 0, 1.0, 0.0).astype(jnp.float32)

        cp_p = pltpu.async_copy(pred_hbm.at[pl.ds(base, _CHUNK)], pred_v, sem)
        cp_gt = pltpu.async_copy(gt_hbm.at[pl.ds(base, _CHUNK)], gt_v, sem)
        cp_an = pltpu.async_copy(an_hbm.at[pl.ds(base, _CHUNK)], an_v, sem)

        def zfill(r, carry):
            za_v[r, pl.ds(0, 16)] = zvec
            za_v[r, pl.ds(16, 16)] = zvec
            e0_v[r, pl.ds(0, 16)] = zvec
            return carry

        lax.fori_loop(0, _RPT, zfill, 0)
        pltpu.sync_copy(za_v, table_s.at[pl.ds(s * _RPT, _RPT)])
        pltpu.sync_copy(e0_v.at[pl.ds(0, _RPT)],
                        table_c.at[pl.ds(s * _RPT, _RPT)])

        def efill(r, carry):
            e0_v[r, pl.ds(0, 16)] = e0vec
            return carry

        lax.fori_loop(0, 128, efill, 0)

        cp_p.wait()
        cp_gt.wait()
        cp_an.wait()

        for k in range(_CHUNK // 16):
            g = gt_v[pl.ds(k * 16, 16)]
            a = an_v[pl.ds(k * 16, 16)]
            idx_v[k // 8, pl.ds((k % 8) * 16, 16)] = gbase + a * 64 + g

        plsc.subcore_barrier()

        for k in range(4):
            pltpu.sync_copy(pred_v.at[pl.ds(k * 128, 128)],
                            table_s.at[idx_v.at[k]], add=True)
            pltpu.sync_copy(e0_v, table_c.at[idx_v.at[k]], add=True)

        plsc.subcore_barrier()

        pltpu.sync_copy(table_s.at[pl.ds(s * _RPT, _RPT)],
                        out_s.at[c, pl.ds(s * _RPT, _RPT)])
        pltpu.sync_copy(table_c.at[pl.ds(s * _RPT, _RPT)],
                        out_c.at[c, pl.ds(s * _RPT, _RPT)])

    return seg_kernel


_seg_call = _make_seg_call()


def _finish_kernel(s_ref, c_ref, p_ref, out_ref):
    S = s_ref[...]
    P = p_ref[...]
    cnt = c_ref[:, 0:1]
    present = cnt > 0.0
    pf = present.astype(jnp.float32)
    safe = jnp.where(present, cnt, 1.0)
    S2 = jnp.sum(S * S, axis=1, keepdims=True)
    that = S * lax.rsqrt(jnp.maximum(S2, _TINY))
    pull_g = 1.0 - jnp.sum(that * P, axis=1, keepdims=True) / safe

    sel = (lax.broadcasted_iota(jnp.int32, (_NIMG * 9, _GSEG), 1) // 64
           == lax.broadcasted_iota(jnp.int32, (_NIMG * 9, _GSEG), 0)
           ).astype(jnp.float32)
    dn = (((1,), (0,)), ((), ()))
    obj = lax.dot_general(sel, pf, dn,
                          preferred_element_type=jnp.float32)
    pullnum = lax.dot_general(sel, pf * pull_g, dn,
                              preferred_element_type=jnp.float32)
    Sa = lax.dot_general(sel, pf * that, dn,
                         preferred_element_type=jnp.float32)
    els = lax.dot_general(sel, cnt, dn,
                          preferred_element_type=jnp.float32)

    Ssq = jnp.sum(Sa * Sa, axis=1, keepdims=True)
    push = (obj * obj + Ssq - 2.0 * obj) / (((obj - 1.0) * obj + _EPS) * 2.0)
    pull = pullnum / (obj + _EPS)
    la = jnp.where(obj <= 1.0, 0.0, pull + push)
    la = jnp.where(els > 0.0, la, 0.0)

    imgsel = (lax.broadcasted_iota(jnp.int32, (_NIMG, _NIMG * 9), 1) // 9
              == lax.broadcasted_iota(jnp.int32, (_NIMG, _NIMG * 9), 0)
              ).astype(jnp.float32)
    an_count = lax.dot_general(imgsel, (els > 0.0).astype(jnp.float32), dn,
                               preferred_element_type=jnp.float32)
    img_loss = lax.dot_general(imgsel, la, dn,
                               preferred_element_type=jnp.float32) / an_count
    out_ref[...] = jnp.full((1, 1), jnp.sum(img_loss) / _NIMG, jnp.float32)


def kernel(pred, gt_inds, anchor_inds):
    pred_flat = pred.reshape(_NIMG * _N, _D)
    gt_flat = gt_inds.astype(jnp.int32).reshape(-1)
    an_flat = anchor_inds.astype(jnp.int32).reshape(-1)

    part_s, part_c = _seg_call(pred_flat, gt_flat, an_flat)

    pred_t = jnp.transpose(pred, (0, 2, 1))
    gt3 = gt_inds.astype(jnp.int32).reshape(_NIMG, 1, _N)
    an3 = anchor_inds.astype(jnp.int32).reshape(_NIMG, 1, _N)
    pmat = pl.pallas_call(
        _pmat_kernel,
        grid=(_NIMG,),
        in_specs=[
            pl.BlockSpec((1, _D, _N), lambda i: (i, 0, 0)),
            pl.BlockSpec((1, 1, _N), lambda i: (i, 0, 0)),
            pl.BlockSpec((1, 1, _N), lambda i: (i, 0, 0)),
        ],
        out_specs=pl.BlockSpec((1, _SEG, _D), lambda i: (i, 0, 0)),
        out_shape=jax.ShapeDtypeStruct((_NIMG, _SEG, _D), jnp.float32),
    )(pred_t, gt3, an3)

    out = pl.pallas_call(
        _finish_kernel,
        out_shape=jax.ShapeDtypeStruct((1, 1), jnp.float32),
    )(part_s.reshape(_GSEG, _D), part_c.reshape(_GSEG, 16),
      pmat.reshape(_GSEG, _D))
    return out[0, 0]

# --- scband reference (transcript-rebuilt; emitter-appended) ---
"""Pipeline reference for scband-tag-cosine-loss-87136296501788 (READ-ONLY COPY).

The authoritative reference and input builder live on the scoring server;
editing this copy changes nothing except your own understanding.
"""

import jax, jax.numpy as jnp
import numpy as np

EPS = 1e-06

def gen_group_inds(target):
    target = np.asarray(target)
    gt_label = np.unique(target)
    res = []
    for i in gt_label:
        res.append(np.argwhere(target == i).reshape(-1))
    return res

def cosine_sim(a, b, eps=1e-06):
    na = jnp.linalg.norm(a, axis=1)
    nb = jnp.linalg.norm(b, axis=1)
    return jnp.sum(a * b, axis=1) / jnp.maximum(na * nb, eps)

def single_tag_loss(pred, gt, group_mask, pull_weight, push_weight):
    eps = 1e-06
    num_labels = 64
    labels = jnp.arange(num_labels)
    memb = (gt[None, :] == labels[:, None]) & group_mask[None, :]
    memb_f = memb.astype(pred.dtype)
    counts = jnp.sum(memb_f, axis=1)
    present = counts > 0
    obj_num = jnp.sum(present.astype(pred.dtype))
    safe_counts = jnp.where(present, counts, 1.0)
    tags = (memb_f @ pred) / safe_counts[:, None]
    na = jnp.linalg.norm(pred, axis=1)
    nt = jnp.linalg.norm(tags, axis=1)
    dots = tags @ pred.T
    cos = dots / jnp.maximum(nt[:, None] * na[None, :], eps)
    pull_g = jnp.sum(memb_f * (1 - cos), axis=1) / safe_counts
    pull = jnp.sum(jnp.where(present, pull_g, 0.0)) / (obj_num + eps)
    pair_dots = tags @ tags.T
    pair_cos = pair_dots / jnp.maximum(nt[:, None] * nt[None, :], eps)
    pair_mask = present[:, None] & present[None, :]
    push = jnp.sum(jnp.where(pair_mask, 1 + pair_cos, 0.0)) - obj_num * 2
    push = push / (((obj_num - 1) * obj_num + eps) * 2)
    loss = push_weight * push + pull_weight * pull
    loss = jnp.where(obj_num <= 1, jnp.mean(pred) * 0, loss)
    return loss

def tag_cosine_loss(pred, gt_inds, anchor_inds, group_anchor, pull_weight, push_weight):
    img_num = pred.shape[0]
    assert img_num > 0
    num_anchor_labels = 9
    anchor_labels = jnp.arange(num_anchor_labels)
    loss = 0.0
    for i in range(img_num):
        img_pred = pred[i]
        img_gt = gt_inds[i]
        img_an = anchor_inds[i]
        if group_anchor:
            an_memb = img_an[None, :] == anchor_labels[:, None]
            an_present = jnp.any(an_memb, axis=1)
            an_count = jnp.sum(an_present.astype(img_pred.dtype))
            single_img_loss = 0.0
            for a in range(num_anchor_labels):
                group_loss = single_tag_loss(img_pred, img_gt, an_memb[a], pull_weight, push_weight)
                single_img_loss = single_img_loss + jnp.where(an_present[a], group_loss, 0.0)
            single_img_loss = single_img_loss / an_count
        else:
            full_mask = jnp.ones(img_gt.shape, dtype=bool)
            single_img_loss = single_tag_loss(img_pred, img_gt, full_mask, pull_weight, push_weight)
        loss = loss + single_img_loss
    loss = loss / img_num
    return loss

def setup_inputs(seed: int = 0) -> dict:
    key = jax.random.key(seed)
    k1, k2, k3 = jax.random.split(key, 3)
    pred = jax.random.normal(k1, (4, 4096, 32), dtype=jnp.float32)
    gt_inds = jax.random.randint(k2, (4, 4096), 0, 64, dtype=jnp.int64 if jax.config.jax_enable_x64 else jnp.int32)
    anchor_inds = jax.random.randint(k3, (4, 4096), 0, 9, dtype=jnp.int64 if jax.config.jax_enable_x64 else jnp.int32)
    return {"pred": pred, "gt_inds": gt_inds, "anchor_inds": anchor_inds}

def reference(pred, gt_inds, anchor_inds):
    loss_weight = 1.0
    group_anchor = True
    pull_weight = 1
    push_weight = 1
    loss_tag = loss_weight * tag_cosine_loss(pred, gt_inds, anchor_inds, group_anchor, pull_weight, push_weight)
    return loss_tag

if __name__ == "__main__":
    import jax
    _d = setup_inputs()
    print(jax.jit(kernel)(*tuple(_d.values())))

</pallas_src>

<mosaic_0001>
#map = affine_map<(d0, d1) -> (0, 0)>
#map1 = affine_map<(d0, d1) -> (0)>
#map2 = affine_map<(d0, d1) -> (0, 0, 0)>
module attributes {stable_mosaic.version = 14 : i64} {
  func.func @seg_kernel(%arg0: i32, %arg1: i32, %arg2: memref<16384x32xf32, #tpu.memory_space<hbm>>, %arg3: memref<16384xi32, #tpu.memory_space<hbm>>, %arg4: memref<16384xi32, #tpu.memory_space<hbm>>, %arg5: memref<2x1152x32xf32, #tpu.memory_space<hbm>>, %arg6: memref<2x1152x16xf32, #tpu.memory_space<hbm>>, %arg7: memref<512x32xf32, #tpu.memory_space<vmem>>, %arg8: memref<128x16xf32, #tpu.memory_space<vmem>>, %arg9: memref<72x32xf32, #tpu.memory_space<vmem>>, %arg10: memref<512xi32, #tpu.memory_space<vmem>>, %arg11: memref<512xi32, #tpu.memory_space<vmem>>, %arg12: memref<4x128xi32, #tpu.memory_space<vmem>>, %arg13: memref<1152x32xf32, #tpu.memory_space<vmem_shared>>, %arg14: memref<1152x16xf32, #tpu.memory_space<vmem_shared>>, %arg15: memref<!tpu.dma_semaphore, #tpu.memory_space<semaphore_mem>>) attributes {dimension_semantics = [#tpu.dimension_semantics<core_parallel>, #tpu.dimension_semantics<subcore_parallel>], iteration_bounds = array<i64: 2, 16>, scalar_prefetch = 0 : i64, scratch_operands = 9 : i64, tpu.core_type = #tpu.core_type<sc_vector_subcore>, window_params = [{transform_indices = #map}, {transform_indices = #map1}, {transform_indices = #map1}, {transform_indices = #map2}, {transform_indices = #map2}]} {
    %mul3A = arith.constant 16 : i32
    %mul3A_0 = arith.muli %arg0, %mul3A : i32
    %add3A = arith.addi %mul3A_0, %arg1 : i32
    %mul3A_1 = arith.constant 512 : i32
    %mul3A_2 = arith.muli %add3A, %mul3A_1 : i32
    %jit3A = arith.constant 8 : i32
    %div3A = arith.divsi %arg1, %jit3A : i32
    %sign3A = arith.constant 0 : i32
    %sign3A_3 = arith.cmpi sgt, %arg1, %sign3A : i32
    %sign3A_4 = arith.extui %sign3A_3 : i1 to i32
    %sign3A_5 = arith.constant 0 : i32
    %sign3A_6 = arith.cmpi slt, %arg1, %sign3A_5 : i32
    %sign3A_7 = arith.extui %sign3A_6 : i1 to i32
    %sign3A_8 = arith.subi %sign3A_4, %sign3A_7 : i32
    %sign3A_9 = arith.constant 0 : i32
    %sign3A_10 = arith.cmpi sgt, %jit3A, %sign3A_9 : i32
    %sign3A_11 = arith.extui %sign3A_10 : i1 to i32
    %sign3A_12 = arith.constant 0 : i32
    %sign3A_13 = arith.cmpi slt, %jit3A, %sign3A_12 : i32
    %sign3A_14 = arith.extui %sign3A_13 : i1 to i32
    %sign3A_15 = arith.subi %sign3A_11, %sign3A_14 : i32
    %ne3A = arith.cmpi ne, %sign3A_8, %sign3A_15 : i32
    %rem3A = arith.remsi %arg1, %jit3A : i32
    %ne3A_16 = arith.constant 0 : i32
    %ne3A_17 = arith.cmpi ne, %rem3A, %ne3A_16 : i32
    %and3A = arith.andi %ne3A, %ne3A_17 : i1
    %sub3A = arith.constant 1 : i32
    %sub3A_18 = arith.subi %div3A, %sub3A : i32
    %select_n3A = arith.select %and3A, %sub3A_18, %div3A : i32
    %mul3A_19 = arith.constant 576 : i32
    %mul3A_20 = arith.muli %select_n3A, %mul3A_19 : i32
    %iota3A = tpu.iota {dimensions = array<i32: 0>} : vector<16xi32>
    %broadcast_in_dim3A = arith.constant 0.000000e+00 : f32
    %broadcast_in_dim3A_21 = vector.broadcast %broadcast_in_dim3A : f32 to vector<16xf32>
    %eq3A = arith.constant 0 : i32
    %eq3A_22 = vector.broadcast %eq3A : i32 to vector<16xi32>
    %eq3A_23 = arith.cmpi eq, %iota3A, %eq3A_22 : vector<16xi32>
    %jit3A_24 = arith.constant 1.000000e+00 : f32
    %jit3A_25 = arith.constant 0.000000e+00 : f32
    %broadcast_in_dim3A_26 = vector.broadcast %jit3A_24 : f32 to vector<16xf32>
    %broadcast_in_dim3A_27 = vector.broadcast %jit3A_25 : f32 to vector<16xf32>
    %select_n3A_28 = arith.select %eq3A_23, %broadcast_in_dim3A_26, %broadcast_in_dim3A_27 : vector<16xi1>, vector<16xf32>
    %dma_start3A = arith.constant 0 : i32
    %dma_start3A_29 = tpu.memref_slice %arg2[%mul3A_2, %dma_start3A] : memref<16384x32xf32, #tpu.memory_space<hbm>> -> memref<512x32xf32, #tpu.memory_space<hbm>>
    %dma_start3A_30 = arith.constant 0 : i32
    %dma_start3A_31 = tpu.memref_slice %arg2[%mul3A_2, %dma_start3A_30] : memref<16384x32xf32, #tpu.memory_space<hbm>> -> memref<512x32xf32, #tpu.memory_space<hbm>>
    tpu.enqueue_dma source(%dma_start3A_31 : memref<512x32xf32, #tpu.memory_space<hbm>>) target(%arg7 : memref<512x32xf32, #tpu.memory_space<vmem>>) target_semaphore(%arg15 : memref<!tpu.dma_semaphore, #tpu.memory_space<semaphore_mem>>)
    %dma_start3A_32 = tpu.memref_slice %arg3[%mul3A_2] : memref<16384xi32, #tpu.memory_space<hbm>> -> memref<512xi32, #tpu.memory_space<hbm>>
    %dma_start3A_33 = tpu.memref_slice %arg3[%mul3A_2] : memref<16384xi32, #tpu.memory_space<hbm>> -> memref<512xi32, #tpu.memory_space<hbm>>
    tpu.enqueue_dma source(%dma_start3A_33 : memref<512xi32, #tpu.memory_space<hbm>>) target(%arg10 : memref<512xi32, #tpu.memory_space<vmem>>) target_semaphore(%arg15 : memref<!tpu.dma_semaphore, #tpu.memory_space<semaphore_mem>>)
    %dma_start3A_34 = tpu.memref_slice %arg4[%mul3A_2] : memref<16384xi32, #tpu.memory_space<hbm>> -> memref<512xi32, #tpu.memory_space<hbm>>
    %dma_start3A_35 = tpu.memref_slice %arg4[%mul3A_2] : memref<16384xi32, #tpu.memory_space<hbm>> -> memref<512xi32, #tpu.memory_space<hbm>>
    tpu.enqueue_dma source(%dma_start3A_35 : memref<512xi32, #tpu.memory_space<hbm>>) target(%arg11 : memref<512xi32, #tpu.memory_space<vmem>>) target_semaphore(%arg15 : memref<!tpu.dma_semaphore, #tpu.memory_space<semaphore_mem>>)
    %scan3A = arith.constant 0 : i32
    %scan3A_36 = arith.constant 0 : i32
    %scan3A_37 = arith.constant 72 : i32
    %scan3A_38 = arith.addi %scan3A_36, %scan3A_37 : i32
    %scan3A_39 = arith.constant 1 : i32
    scf.for %scan3A_648 = %scan3A_36 to %scan3A_38 step %scan3A_39  : i32 {
      %swap3A_649 = arith.index_cast %scan3A_648 : i32 to index
      %swap3A_650 = arith.constant 0 : index
      %swap3A_651 = tpu.vector_load %arg9[%swap3A_649, %swap3A_650] {strides = array<i32>} : memref<72x32xf32, #tpu.memory_space<vmem>>, vector<1x16xf32>,
      %swap3A_652 = vector.shape_cast %swap3A_651 : vector<1x16xf32> to vector<16xf32>
      %swap3A_653 = vector.shape_cast %broadcast_in_dim3A_21 : vector<16xf32> to vector<1x16xf32>
      tpu.vector_store %arg9[%swap3A_649, %swap3A_650], %swap3A_653 {strides = array<i32>} : memref<72x32xf32, #tpu.memory_space<vmem>>, vector<1x16xf32>,
      %swap3A_654 = arith.index_cast %scan3A_648 : i32 to index
      %swap3A_655 = arith.constant 16 : index
      %swap3A_656 = tpu.vector_load %arg9[%swap3A_654, %swap3A_655] {strides = array<i32>} : memref<72x32xf32, #tpu.memory_space<vmem>>, vector<1x16xf32>,
      %swap3A_657 = vector.shape_cast %swap3A_656 : vector<1x16xf32> to vector<16xf32>
      %swap3A_658 = vector.shape_cast %broadcast_in_dim3A_21 : vector<16xf32> to vector<1x16xf32>
      tpu.vector_store %arg9[%swap3A_654, %swap3A_655], %swap3A_658 {strides = array<i32>} : memref<72x32xf32, #tpu.memory_space<vmem>>, vector<1x16xf32>,
      %swap3A_659 = arith.index_cast %scan3A_648 : i32 to index
      %swap3A_660 = arith.constant 0 : index
      %swap3A_661 = tpu.vector_load %arg8[%swap3A_659, %swap3A_660] {strides = array<i32>} : memref<128x16xf32, #tpu.memory_space<vmem>>, vector<1x16xf32>,
      %swap3A_662 = vector.shape_cast %swap3A_661 : vector<1x16xf32> to vector<16xf32>
      %swap3A_663 = vector.shape_cast %broadcast_in_dim3A_21 : vector<16xf32> to vector<1x16xf32>
      tpu.vector_store %arg8[%swap3A_659, %swap3A_660], %swap3A_663 {strides = array<i32>} : memref<128x16xf32, #tpu.memory_space<vmem>>, vector<1x16xf32>,
    }
    %scan3A_40 = arith.constant 72 : i32
    %mul3A_41 = arith.constant 72 : i32
    %mul3A_42 = arith.muli %arg1, %mul3A_41 : i32
    "tpu.region"() ({
      %run_scoped3A_648 = tpu.sem_alloc : memref<!tpu.dma_semaphore, #tpu.memory_space<semaphore_mem>>
      %dma_start3A_649 = arith.constant 0 : i32
      %dma_start3A_650 = tpu.memref_slice %arg13[%mul3A_42, %dma_start3A_649] : memref<1152x32xf32, #tpu.memory_space<vmem_shared>> -> memref<72x32xf32, #tpu.memory_space<vmem_shared>>
      %dma_start3A_651 = arith.constant 0 : i32
      %dma_start3A_652 = tpu.memref_slice %arg13[%mul3A_42, %dma_start3A_651] : memref<1152x32xf32, #tpu.memory_space<vmem_shared>> -> memref<72x32xf32, #tpu.memory_space<vmem_shared>>
      tpu.enqueue_dma source(%arg9 : memref<72x32xf32, #tpu.memory_space<vmem>>) target(%dma_start3A_652 : memref<72x32xf32, #tpu.memory_space<vmem_shared>>) target_semaphore(%run_scoped3A_648 : memref<!tpu.dma_semaphore, #tpu.memory_space<semaphore_mem>>)
      %dma_wait3A_653 = arith.constant 0 : i32
      %dma_wait3A_654 = tpu.memref_slice %arg13[%mul3A_42, %dma_wait3A_653] : memref<1152x32xf32, #tpu.memory_space<vmem_shared>> -> memref<72x32xf32, #tpu.memory_space<vmem_shared>>
      %dma_wait3A_655 = arith.constant 0 : i32
      %dma_wait3A_656 = tpu.memref_slice %arg13[%mul3A_42, %dma_wait3A_655] : memref<1152x32xf32, #tpu.memory_space<vmem_shared>> -> memref<72x32xf32, #tpu.memory_space<vmem_shared>>
      tpu.wait_dma2 semaphore(%run_scoped3A_648 : memref<!tpu.dma_semaphore, #tpu.memory_space<semaphore_mem>>) src(%arg9 : memref<72x32xf32, #tpu.memory_space<vmem>>) dst(%dma_wait3A_656 : memref<72x32xf32, #tpu.memory_space<vmem_shared>>)
      tpu.yield
    }) : () -> ()
    %mul3A_43 = arith.constant 72 : i32
    %mul3A_44 = arith.muli %arg1, %mul3A_43 : i32
    "tpu.region"() ({
      %run_scoped3A_648 = tpu.sem_alloc : memref<!tpu.dma_semaphore, #tpu.memory_space<semaphore_mem>>
      %dma_start3A_649 = arith.constant 0 : i32
      %dma_start3A_650 = arith.constant 0 : i32
      %dma_start3A_651 = tpu.memref_slice %arg8[%dma_start3A_649, %dma_start3A_650] : memref<128x16xf32, #tpu.memory_space<vmem>> -> memref<72x16xf32, #tpu.memory_space<vmem>>
      %dma_start3A_652 = arith.constant 0 : i32
      %dma_start3A_653 = tpu.memref_slice %arg14[%mul3A_44, %dma_start3A_652] : memref<1152x16xf32, #tpu.memory_space<vmem_shared>> -> memref<72x16xf32, #tpu.memory_space<vmem_shared>>
      %dma_start3A_654 = arith.constant 0 : i32
      %dma_start3A_655 = tpu.memref_slice %arg14[%mul3A_44, %dma_start3A_654] : memref<1152x16xf32, #tpu.memory_space<vmem_shared>> -> memref<72x16xf32, #tpu.memory_space<vmem_shared>>
      %dma_start3A_656 = arith.constant 0 : i32
      %dma_start3A_657 = arith.constant 0 : i32
      %dma_start3A_658 = tpu.memref_slice %arg8[%dma_start3A_656, %dma_start3A_657] : memref<128x16xf32, #tpu.memory_space<vmem>> -> memref<72x16xf32, #tpu.memory_space<vmem>>
      tpu.enqueue_dma source(%dma_start3A_658 : memref<72x16xf32, #tpu.memory_space<vmem>>) target(%dma_start3A_655 : memref<72x16xf32, #tpu.memory_space<vmem_shared>>) target_semaphore(%run_scoped3A_648 : memref<!tpu.dma_semaphore, #tpu.memory_space<semaphore_mem>>)
      %dma_wait3A_659 = arith.constant 0 : i32
      %dma_wait3A_660 = arith.constant 0 : i32
      %dma_wait3A_661 = tpu.memref_slice %arg8[%dma_wait3A_659, %dma_wait3A_660] : memref<128x16xf32, #tpu.memory_space<vmem>> -> memref<72x16xf32, #tpu.memory_space<vmem>>
      %dma_wait3A_662 = arith.constant 0 : i32
      %dma_wait3A_663 = tpu.memref_slice %arg14[%mul3A_44, %dma_wait3A_662] : memref<1152x16xf32, #tpu.memory_space<vmem_shared>> -> memref<72x16xf32, #tpu.memory_space<vmem_shared>>
      %dma_wait3A_664 = arith.constant 0 : i32
      %dma_wait3A_665 = tpu.memref_slice %arg14[%mul3A_44, %dma_wait3A_664] : memref<1152x16xf32, #tpu.memory_space<vmem_shared>> -> memref<72x16xf32, #tpu.memory_space<vmem_shared>>
      %dma_wait3A_666 = arith.constant 0 : i32
      %dma_wait3A_667 = arith.constant 0 : i32
      %dma_wait3A_668 = tpu.memref_slice %arg8[%dma_wait3A_666, %dma_wait3A_667] : memref<128x16xf32, #tpu.memory_space<vmem>> -> memref<72x16xf32, #tpu.memory_space<vmem>>
      tpu.wait_dma2 semaphore(%run_scoped3A_648 : memref<!tpu.dma_semaphore, #tpu.memory_space<semaphore_mem>>) src(%dma_wait3A_668 : memref<72x16xf32, #tpu.memory_space<vmem>>) dst(%dma_wait3A_665 : memref<72x16xf32, #tpu.memory_space<vmem_shared>>)
      tpu.yield
    }) : () -> ()
    %scan3A_45 = arith.constant 0 : i32
    %scan3A_46 = arith.constant 0 : i32
    %scan3A_47 = arith.constant 128 : i32
    %scan3A_48 = arith.addi %scan3A_46, %scan3A_47 : i32
    %scan3A_49 = arith.constant 1 : i32
    scf.for %scan3A_648 = %scan3A_46 to %scan3A_48 step %scan3A_49  : i32 {
      %swap3A_649 = arith.index_cast %scan3A_648 : i32 to index
      %swap3A_650 = arith.constant 0 : index
      %swap3A_651 = tpu.vector_load %arg8[%swap3A_649, %swap3A_650] {strides = array<i32>} : memref<128x16xf32, #tpu.memory_space<vmem>>, vector<1x16xf32>,
      %swap3A_652 = vector.shape_cast %swap3A_651 : vector<1x16xf32> to vector<16xf32>
      %swap3A_653 = vector.shape_cast %select_n3A_28 : vector<16xf32> to vector<1x16xf32>
      tpu.vector_store %arg8[%swap3A_649, %swap3A_650], %swap3A_653 {strides = array<i32>} : memref<128x16xf32, #tpu.memory_space<vmem>>, vector<1x16xf32>,
    }
    %scan3A_50 = arith.constant 128 : i32
    %dma_wait3A = arith.constant 0 : i32
    %dma_wait3A_51 = tpu.memref_slice %arg2[%mul3A_2, %dma_wait3A] : memref<16384x32xf32, #tpu.memory_space<hbm>> -> memref<512x32xf32, #tpu.memory_space<hbm>>
    %dma_wait3A_52 = arith.constant 0 : i32
    %dma_wait3A_53 = tpu.memref_slice %arg2[%mul3A_2, %dma_wait3A_52] : memref<16384x32xf32, #tpu.memory_space<hbm>> -> memref<512x32xf32, #tpu.memory_space<hbm>>
    tpu.wait_dma2 semaphore(%arg15 : memref<!tpu.dma_semaphore, #tpu.memory_space<semaphore_mem>>) src(%dma_wait3A_53 : memref<512x32xf32, #tpu.memory_space<hbm>>) dst(%arg7 : memref<512x32xf32, #tpu.memory_space<vmem>>)
    %dma_wait3A_54 = tpu.memref_slice %arg3[%mul3A_2] : memref<16384xi32, #tpu.memory_space<hbm>> -> memref<512xi32, #tpu.memory_space<hbm>>
    %dma_wait3A_55 = tpu.memref_slice %arg3[%mul3A_2] : memref<16384xi32, #tpu.memory_space<hbm>> -> memref<512xi32, #tpu.memory_space<hbm>>
    tpu.wait_dma2 semaphore(%arg15 : memref<!tpu.dma_semaphore, #tpu.memory_space<semaphore_mem>>) src(%dma_wait3A_55 : memref<512xi32, #tpu.memory_space<hbm>>) dst(%arg10 : memref<512xi32, #tpu.memory_space<vmem>>)
    %dma_wait3A_56 = tpu.memref_slice %arg4[%mul3A_2] : memref<16384xi32, #tpu.memory_space<hbm>> -> memref<512xi32, #tpu.memory_space<hbm>>
    %dma_wait3A_57 = tpu.memref_slice %arg4[%mul3A_2] : memref<16384xi32, #tpu.memory_space<hbm>> -> memref<512xi32, #tpu.memory_space<hbm>>
    tpu.wait_dma2 semaphore(%arg15 : memref<!tpu.dma_semaphore, #tpu.memory_space<semaphore_mem>>) src(%dma_wait3A_57 : memref<512xi32, #tpu.memory_space<hbm>>) dst(%arg11 : memref<512xi32, #tpu.memory_space<vmem>>)
    %get3A = arith.constant 0 : index
    %get3A_58 = tpu.vector_load %arg10[%get3A] {strides = array<i32>} : memref<512xi32, #tpu.memory_space<vmem>>, vector<16xi32>,
    %get3A_59 = vector.shape_cast %get3A_58 : vector<16xi32> to vector<16xi32>
    %get3A_60 = arith.constant 0 : index
    %get3A_61 = tpu.vector_load %arg11[%get3A_60] {strides = array<i32>} : memref<512xi32, #tpu.memory_space<vmem>>, vector<16xi32>,
    %get3A_62 = vector.shape_cast %get3A_61 : vector<16xi32> to vector<16xi32>
    %mul3A_63 = arith.constant 64 : i32
    %mul3A_64 = vector.broadcast %mul3A_63 : i32 to vector<16xi32>
    %mul3A_65 = arith.muli %get3A_62, %mul3A_64 : vector<16xi32>
    %add3A_66 = vector.broadcast %mul3A_20 : i32 to vector<16xi32>
    %add3A_67 = arith.addi %add3A_66, %mul3A_65 : vector<16xi32>
    %add3A_68 = arith.addi %add3A_67, %get3A_59 : vector<16xi32>
    %swap3A = arith.constant 0 : i32
    %swap3A_69 = arith.index_cast %swap3A : i32 to index
    %swap3A_70 = arith.constant 0 : index
    %swap3A_71 = tpu.vector_load %arg12[%swap3A_69, %swap3A_70] {strides = array<i32>} : memref<4x128xi32, #tpu.memory_space<vmem>>, vector<1x16xi32>,
    %swap3A_72 = vector.shape_cast %swap3A_71 : vector<1x16xi32> to vector<16xi32>
    %swap3A_73 = vector.shape_cast %add3A_68 : vector<16xi32> to vector<1x16xi32>
    tpu.vector_store %arg12[%swap3A_69, %swap3A_70], %swap3A_73 {strides = array<i32>} : memref<4x128xi32, #tpu.memory_space<vmem>>, vector<1x16xi32>,
    %get3A_74 = arith.constant 16 : index
    %get3A_75 = tpu.vector_load %arg10[%get3A_74] {strides = array<i32>} : memref<512xi32, #tpu.memory_space<vmem>>, vector<16xi32>,
    %get3A_76 = vector.shape_cast %get3A_75 : vector<16xi32> to vector<16xi32>
    %get3A_77 = arith.constant 16 : index
    %get3A_78 = tpu.vector_load %arg11[%get3A_77] {strides = array<i32>} : memref<512xi32, #tpu.memory_space<vmem>>, vector<16xi32>,
    %get3A_79 = vector.shape_cast %get3A_78 : vector<16xi32> to vector<16xi32>
    %mul3A_80 = arith.constant 64 : i32
    %mul3A_81 = vector.broadcast %mul3A_80 : i32 to vector<16xi32>
    %mul3A_82 = arith.muli %get3A_79, %mul3A_81 : vector<16xi32>
    %add3A_83 = vector.broadcast %mul3A_20 : i32 to vector<16xi32>
    %add3A_84 = arith.addi %add3A_83, %mul3A_82 : vector<16xi32>
    %add3A_85 = arith.addi %add3A_84, %get3A_76 : vector<16xi32>
    %swap3A_86 = arith.constant 0 : i32
    %swap3A_87 = arith.index_cast %swap3A_86 : i32 to index
    %swap3A_88 = arith.constant 16 : index
    %swap3A_89 = tpu.vector_load %arg12[%swap3A_87, %swap3A_88] {strides = array<i32>} : memref<4x128xi32, #tpu.memory_space<vmem>>, vector<1x16xi32>,
    %swap3A_90 = vector.shape_cast %swap3A_89 : vector<1x16xi32> to vector<16xi32>
    %swap3A_91 = vector.shape_cast %add3A_85 : vector<16xi32> to vector<1x16xi32>
    tpu.vector_store %arg12[%swap3A_87, %swap3A_88], %swap3A_91 {strides = array<i32>} : memref<4x128xi32, #tpu.memory_space<vmem>>, vector<1x16xi32>,
    %get3A_92 = arith.constant 32 : index
    %get3A_93 = tpu.vector_load %arg10[%get3A_92] {strides = array<i32>} : memref<512xi32, #tpu.memory_space<vmem>>, vector<16xi32>,
    %get3A_94 = vector.shape_cast %get3A_93 : vector<16xi32> to vector<16xi32>
    %get3A_95 = arith.constant 32 : index
    %get3A_96 = tpu.vector_load %arg11[%get3A_95] {strides = array<i32>} : memref<512xi32, #tpu.memory_space<vmem>>, vector<16xi32>,
    %get3A_97 = vector.shape_cast %get3A_96 : vector<16xi32> to vector<16xi32>
    %mul3A_98 = arith.constant 64 : i32
    %mul3A_99 = vector.broadcast %mul3A_98 : i32 to vector<16xi32>
    %mul3A_100 = arith.muli %get3A_97, %mul3A_99 : vector<16xi32>
    %add3A_101 = vector.broadcast %mul3A_20 : i32 to vector<16xi32>
    %add3A_102 = arith.addi %add3A_101, %mul3A_100 : vector<16xi32>
    %add3A_103 = arith.addi %add3A_102, %get3A_94 : vector<16xi32>
    %swap3A_104 = arith.constant 0 : i32
    %swap3A_105 = arith.index_cast %swap3A_104 : i32 to index
    %swap3A_106 = arith.constant 32 : index
    %swap3A_107 = tpu.vector_load %arg12[%swap3A_105, %swap3A_106] {strides = array<i32>} : memref<4x128xi32, #tpu.memory_space<vmem>>, vector<1x16xi32>,
    %swap3A_108 = vector.shape_cast %swap3A_107 : vector<1x16xi32> to vector<16xi32>
    %swap3A_109 = vector.shape_cast %add3A_103 : vector<16xi32> to vector<1x16xi32>
    tpu.vector_store %arg12[%swap3A_105, %swap3A_106], %swap3A_109 {strides = array<i32>} : memref<4x128xi32, #tpu.memory_space<vmem>>, vector<1x16xi32>,
    %get3A_110 = arith.constant 48 : index
    %get3A_111 = tpu.vector_load %arg10[%get3A_110] {strides = array<i32>} : memref<512xi32, #tpu.memory_space<vmem>>, vector<16xi32>,
    %get3A_112 = vector.shape_cast %get3A_111 : vector<16xi32> to vector<16xi32>
    %get3A_113 = arith.constant 48 : index
    %get3A_114 = tpu.vector_load %arg11[%get3A_113] {strides = array<i32>} : memref<512xi32, #tpu.memory_space<vmem>>, vector<16xi32>,
    %get3A_115 = vector.shape_cast %get3A_114 : vector<16xi32> to vector<16xi32>
    %mul3A_116 = arith.constant 64 : i32
    %mul3A_117 = vector.broadcast %mul3A_116 : i32 to vector<16xi32>
    %mul3A_118 = arith.muli %get3A_115, %mul3A_117 : vector<16xi32>
    %add3A_119 = vector.broadcast %mul3A_20 : i32 to vector<16xi32>
    %add3A_120 = arith.addi %add3A_119, %mul3A_118 : vector<16xi32>
    %add3A_121 = arith.addi %add3A_120, %get3A_112 : vector<16xi32>
    %swap3A_122 = arith.constant 0 : i32
    %swap3A_123 = arith.index_cast %swap3A_122 : i32 to index
    %swap3A_124 = arith.constant 48 : index
    %swap3A_125 = tpu.vector_load %arg12[%swap3A_123, %swap3A_124] {strides = array<i32>} : memref<4x128xi32, #tpu.memory_space<vmem>>, vector<1x16xi32>,
    %swap3A_126 = vector.shape_cast %swap3A_125 : vector<1x16xi32> to vector<16xi32>
    %swap3A_127 = vector.shape_cast %add3A_121 : vector<16xi32> to vector<1x16xi32>
    tpu.vector_store %arg12[%swap3A_123, %swap3A_124], %swap3A_127 {strides = array<i32>} : memref<4x128xi32, #tpu.memory_space<vmem>>, vector<1x16xi32>,
    %get3A_128 = arith.constant 64 : index
    %get3A_129 = tpu.vector_load %arg10[%get3A_128] {strides = array<i32>} : memref<512xi32, #tpu.memory_space<vmem>>, vector<16xi32>,
    %get3A_130 = vector.shape_cast %get3A_129 : vector<16xi32> to vector<16xi32>
    %get3A_131 = arith.constant 64 : index
    %get3A_132 = tpu.vector_load %arg11[%get3A_131] {strides = array<i32>} : memref<512xi32, #tpu.memory_space<vmem>>, vector<16xi32>,
    %get3A_133 = vector.shape_cast %get3A_132 : vector<16xi32> to vector<16xi32>
    %mul3A_134 = arith.constant 64 : i32
    %mul3A_135 = vector.broadcast %mul3A_134 : i32 to vector<16xi32>
    %mul3A_136 = arith.muli %get3A_133, %mul3A_135 : vector<16xi32>
    %add3A_137 = vector.broadcast %mul3A_20 : i32 to vector<16xi32>
    %add3A_138 = arith.addi %add3A_137, %mul3A_136 : vector<16xi32>
    %add3A_139 = arith.addi %add3A_138, %get3A_130 : vector<16xi32>
    %swap3A_140 = arith.constant 0 : i32
    %swap3A_141 = arith.index_cast %swap3A_140 : i32 to index
    %swap3A_142 = arith.constant 64 : index
    %swap3A_143 = tpu.vector_load %arg12[%swap3A_141, %swap3A_142] {strides = array<i32>} : memref<4x128xi32, #tpu.memory_space<vmem>>, vector<1x16xi32>,
    %swap3A_144 = vector.shape_cast %swap3A_143 : vector<1x16xi32> to vector<16xi32>
    %swap3A_145 = vector.shape_cast %add3A_139 : vector<16xi32> to vector<1x16xi32>
    tpu.vector_store %arg12[%swap3A_141, %swap3A_142], %swap3A_145 {strides = array<i32>} : memref<4x128xi32, #tpu.memory_space<vmem>>, vector<1x16xi32>,
    %get3A_146 = arith.constant 80 : index
    %get3A_147 = tpu.vector_load %arg10[%get3A_146] {strides = array<i32>} : memref<512xi32, #tpu.memory_space<vmem>>, vector<16xi32>,
    %get3A_148 = vector.shape_cast %get3A_147 : vector<16xi32> to vector<16xi32>
    %get3A_149 = arith.constant 80 : index
    %get3A_150 = tpu.vector_load %arg11[%get3A_149] {strides = array<i32>} : memref<512xi32, #tpu.memory_space<vmem>>, vector<16xi32>,
    %get3A_151 = vector.shape_cast %get3A_150 : vector<16xi32> to vector<16xi32>
    %mul3A_152 = arith.constant 64 : i32
    %mul3A_153 = vector.broadcast %mul3A_152 : i32 to vector<16xi32>
    %mul3A_154 = arith.muli %get3A_151, %mul3A_153 : vector<16xi32>
    %add3A_155 = vector.broadcast %mul3A_20 : i32 to vector<16xi32>
    %add3A_156 = arith.addi %add3A_155, %mul3A_154 : vector<16xi32>
    %add3A_157 = arith.addi %add3A_156, %get3A_148 : vector<16xi32>
    %swap3A_158 = arith.constant 0 : i32
    %swap3A_159 = arith.index_cast %swap3A_158 : i32 to index
    %swap3A_160 = arith.constant 80 : index
    %swap3A_161 = tpu.vector_load %arg12[%swap3A_159, %swap3A_160] {strides = array<i32>} : memref<4x128xi32, #tpu.memory_space<vmem>>, vector<1x16xi32>,
    %swap3A_162 = vector.shape_cast %swap3A_161 : vector<1x16xi32> to vector<16xi32>
    %swap3A_163 = vector.shape_cast %add3A_157 : vector<16xi32> to vector<1x16xi32>
    tpu.vector_store %arg12[%swap3A_159, %swap3A_160], %swap3A_163 {strides = array<i32>} : memref<4x128xi32, #tpu.memory_space<vmem>>, vector<1x16xi32>,
    %get3A_164 = arith.constant 96 : index
    %get3A_165 = tpu.vector_load %arg10[%get3A_164] {strides = array<i32>} : memref<512xi32, #tpu.memory_space<vmem>>, vector<16xi32>,
    %get3A_166 = vector.shape_cast %get3A_165 : vector<16xi32> to vector<16xi32>
    %get3A_167 = arith.constant 96 : index
    %get3A_168 = tpu.vector_load %arg11[%get3A_167] {strides = array<i32>} : memref<512xi32, #tpu.memory_space<vmem>>, vector<16xi32>,
    %get3A_169 = vector.shape_cast %get3A_168 : vector<16xi32> to vector<16xi32>
    %mul3A_170 = arith.constant 64 : i32
    %mul3A_171 = vector.broadcast %mul3A_170 : i32 to vector<16xi32>
    %mul3A_172 = arith.muli %get3A_169, %mul3A_171 : vector<16xi32>
    %add3A_173 = vector.broadcast %mul3A_20 : i32 to vector<16xi32>
    %add3A_174 = arith.addi %add3A_173, %mul3A_172 : vector<16xi32>
    %add3A_175 = arith.addi %add3A_174, %get3A_166 : vector<16xi32>
    %swap3A_176 = arith.constant 0 : i32
    %swap3A_177 = arith.index_cast %swap3A_176 : i32 to index
    %swap3A_178 = arith.constant 96 : index
    %swap3A_179 = tpu.vector_load %arg12[%swap3A_177, %swap3A_178] {strides = array<i32>} : memref<4x128xi32, #tpu.memory_space<vmem>>, vector<1x16xi32>,
    %swap3A_180 = vector.shape_cast %swap3A_179 : vector<1x16xi32> to vector<16xi32>
    %swap3A_181 = vector.shape_cast %add3A_175 : vector<16xi32> to vector<1x16xi32>
    tpu.vector_store %arg12[%swap3A_177, %swap3A_178], %swap3A_181 {strides = array<i32>} : memref<4x128xi32, #tpu.memory_space<vmem>>, vector<1x16xi32>,
    %get3A_182 = arith.constant 112 : index
    %get3A_183 = tpu.vector_load %arg10[%get3A_182] {strides = array<i32>} : memref<512xi32, #tpu.memory_space<vmem>>, vector<16xi32>,
    %get3A_184 = vector.shape_cast %get3A_183 : vector<16xi32> to vector<16xi32>
    %get3A_185 = arith.constant 112 : index
    %get3A_186 = tpu.vector_load %arg11[%get3A_185] {strides = array<i32>} : memref<512xi32, #tpu.memory_space<vmem>>, vector<16xi32>,
    %get3A_187 = vector.shape_cast %get3A_186 : vector<16xi32> to vector<16xi32>
    %mul3A_188 = arith.constant 64 : i32
    %mul3A_189 = vector.broadcast %mul3A_188 : i32 to vector<16xi32>
    %mul3A_190 = arith.muli %get3A_187, %mul3A_189 : vector<16xi32>
    %add3A_191 = vector.broadcast %mul3A_20 : i32 to vector<16xi32>
    %add3A_192 = arith.addi %add3A_191, %mul3A_190 : vector<16xi32>
    %add3A_193 = arith.addi %add3A_192, %get3A_184 : vector<16xi32>
    %swap3A_194 = arith.constant 0 : i32
    %swap3A_195 = arith.index_cast %swap3A_194 : i32 to index
    %swap3A_196 = arith.constant 112 : index
    %swap3A_197 = tpu.vector_load %arg12[%swap3A_195, %swap3A_196] {strides = array<i32>} : memref<4x128xi32, #tpu.memory_space<vmem>>, vector<1x16xi32>,
    %swap3A_198 = vector.shape_cast %swap3A_197 : vector<1x16xi32> to vector<16xi32>
    %swap3A_199 = vector.shape_cast %add3A_193 : vector<16xi32> to vector<1x16xi32>
    tpu.vector_store %arg12[%swap3A_195, %swap3A_196], %swap3A_199 {strides = array<i32>} : memref<4x128xi32, #tpu.memory_space<vmem>>, vector<1x16xi32>,
    %get3A_200 = arith.constant 128 : index
    %get3A_201 = tpu.vector_load %arg10[%get3A_200] {strides = array<i32>} : memref<512xi32, #tpu.memory_space<vmem>>, vector<16xi32>,
    %get3A_202 = vector.shape_cast %get3A_201 : vector<16xi32> to vector<16xi32>
    %get3A_203 = arith.constant 128 : index
    %get3A_204 = tpu.vector_load %arg11[%get3A_203] {strides = array<i32>} : memref<512xi32, #tpu.memory_space<vmem>>, vector<16xi32>,
    %get3A_205 = vector.shape_cast %get3A_204 : vector<16xi32> to vector<16xi32>
    %mul3A_206 = arith.constant 64 : i32
    %mul3A_207 = vector.broadcast %mul3A_206 : i32 to vector<16xi32>
    %mul3A_208 = arith.muli %get3A_205, %mul3A_207 : vector<16xi32>
    %add3A_209 = vector.broadcast %mul3A_20 : i32 to vector<16xi32>
    %add3A_210 = arith.addi %add3A_209, %mul3A_208 : vector<16xi32>
    %add3A_211 = arith.addi %add3A_210, %get3A_202 : vector<16xi32>
    %swap3A_212 = arith.constant 1 : i32
    %swap3A_213 = arith.index_cast %swap3A_212 : i32 to index
    %swap3A_214 = arith.constant 0 : index
    %swap3A_215 = tpu.vector_load %arg12[%swap3A_213, %swap3A_214] {strides = array<i32>} : memref<4x128xi32, #tpu.memory_space<vmem>>, vector<1x16xi32>,
    %swap3A_216 = vector.shape_cast %swap3A_215 : vector<1x16xi32> to vector<16xi32>
    %swap3A_217 = vector.shape_cast %add3A_211 : vector<16xi32> to vector<1x16xi32>
    tpu.vector_store %arg12[%swap3A_213, %swap3A_214], %swap3A_217 {strides = array<i32>} : memref<4x128xi32, #tpu.memory_space<vmem>>, vector<1x16xi32>,
    %get3A_218 = arith.constant 144 : index
    %get3A_219 = tpu.vector_load %arg10[%get3A_218] {strides = array<i32>} : memref<512xi32, #tpu.memory_space<vmem>>, vector<16xi32>,
    %get3A_220 = vector.shape_cast %get3A_219 : vector<16xi32> to vector<16xi32>
    %get3A_221 = arith.constant 144 : index
    %get3A_222 = tpu.vector_load %arg11[%get3A_221] {strides = array<i32>} : memref<512xi32, #tpu.memory_space<vmem>>, vector<16xi32>,
    %get3A_223 = vector.shape_cast %get3A_222 : vector<16xi32> to vector<16xi32>
    %mul3A_224 = arith.constant 64 : i32
    %mul3A_225 = vector.broadcast %mul3A_224 : i32 to vector<16xi32>
    %mul3A_226 = arith.muli %get3A_223, %mul3A_225 : vector<16xi32>
    %add3A_227 = vector.broadcast %mul3A_20 : i32 to vector<16xi32>
    %add3A_228 = arith.addi %add3A_227, %mul3A_226 : vector<16xi32>
    %add3A_229 = arith.addi %add3A_228, %get3A_220 : vector<16xi32>
    %swap3A_230 = arith.constant 1 : i32
    %swap3A_231 = arith.index_cast %swap3A_230 : i32 to index
    %swap3A_232 = arith.constant 16 : index
    %swap3A_233 = tpu.vector_load %arg12[%swap3A_231, %swap3A_232] {strides = array<i32>} : memref<4x128xi32, #tpu.memory_space<vmem>>, vector<1x16xi32>,
    %swap3A_234 = vector.shape_cast %swap3A_233 : vector<1x16xi32> to vector<16xi32>
    %swap3A_235 = vector.shape_cast %add3A_229 : vector<16xi32> to vector<1x16xi32>
    tpu.vector_store %arg12[%swap3A_231, %swap3A_232], %swap3A_235 {strides = array<i32>} : memref<4x128xi32, #tpu.memory_space<vmem>>, vector<1x16xi32>,
    %get3A_236 = arith.constant 160 : index
    %get3A_237 = tpu.vector_load %arg10[%get3A_236] {strides = array<i32>} : memref<512xi32, #tpu.memory_space<vmem>>, vector<16xi32>,
    %get3A_238 = vector.shape_cast %get3A_237 : vector<16xi32> to vector<16xi32>
    %get3A_239 = arith.constant 160 : index
    %get3A_240 = tpu.vector_load %arg11[%get3A_239] {strides = array<i32>} : memref<512xi32, #tpu.memory_space<vmem>>, vector<16xi32>,
    %get3A_241 = vector.shape_cast %get3A_240 : vector<16xi32> to vector<16xi32>
    %mul3A_242 = arith.constant 64 : i32
    %mul3A_243 = vector.broadcast %mul3A_242 : i32 to vector<16xi32>
    %mul3A_244 = arith.muli %get3A_241, %mul3A_243 : vector<16xi32>
    %add3A_245 = vector.broadcast %mul3A_20 : i32 to vector<16xi32>
    %add3A_246 = arith.addi %add3A_245, %mul3A_244 : vector<16xi32>
    %add3A_247 = arith.addi %add3A_246, %get3A_238 : vector<16xi32>
    %swap3A_248 = arith.constant 1 : i32
    %swap3A_249 = arith.index_cast %swap3A_248 : i32 to index
    %swap3A_250 = arith.constant 32 : index
    %swap3A_251 = tpu.vector_load %arg12[%swap3A_249, %swap3A_250] {strides = array<i32>} : memref<4x128xi32, #tpu.memory_space<vmem>>, vector<1x16xi32>,
    %swap3A_252 = vector.shape_cast %swap3A_251 : vector<1x16xi32> to vector<16xi32>
    %swap3A_253 = vector.shape_cast %add3A_247 : vector<16xi32> to vector<1x16xi32>
    tpu.vector_store %arg12[%swap3A_249, %swap3A_250], %swap3A_253 {strides = array<i32>} : memref<4x128xi32, #tpu.memory_space<vmem>>, vector<1x16xi32>,
    %get3A_254 = arith.constant 176 : index
    %get3A_255 = tpu.vector_load %arg10[%get3A_254] {strides = array<i32>} : memref<512xi32, #tpu.memory_space<vmem>>, vector<16xi32>,
    %get3A_256 = vector.shape_cast %get3A_255 : vector<16xi32> to vector<16xi32>
    %get3A_257 = arith.constant 176 : index
    %get3A_258 = tpu.vector_load %arg11[%get3A_257] {strides = array<i32>} : memref<512xi32, #tpu.memory_space<vmem>>, vector<16xi32>,
    %get3A_259 = vector.shape_cast %get3A_258 : vector<16xi32> to vector<16xi32>
    %mul3A_260 = arith.constant 64 : i32
    %mul3A_261 = vector.broadcast %mul3A_260 : i32 to vector<16xi32>
    %mul3A_262 = arith.muli %get3A_259, %mul3A_261 : vector<16xi32>
    %add3A_263 = vector.broadcast %mul3A_20 : i32 to vector<16xi32>
    %add3A_264 = arith.addi %add3A_263, %mul3A_262 : vector<16xi32>
    %add3A_265 = arith.addi %add3A_264, %get3A_256 : vector<16xi32>
    %swap3A_266 = arith.constant 1 : i32
    %swap3A_267 = arith.index_cast %swap3A_266 : i32 to index
    %swap3A_268 = arith.constant 48 : index
    %swap3A_269 = tpu.vector_load %arg12[%swap3A_267, %swap3A_268] {strides = array<i32>} : memref<4x128xi32, #tpu.memory_space<vmem>>, vector<1x16xi32>,
    %swap3A_270 = vector.shape_cast %swap3A_269 : vector<1x16xi32> to vector<16xi32>
    %swap3A_271 = vector.shape_cast %add3A_265 : vector<16xi32> to vector<1x16xi32>
    tpu.vector_store %arg12[%swap3A_267, %swap3A_268], %swap3A_271 {strides = array<i32>} : memref<4x128xi32, #tpu.memory_space<vmem>>, vector<1x16xi32>,
    %get3A_272 = arith.constant 192 : index
    %get3A_273 = tpu.vector_load %arg10[%get3A_272] {strides = array<i32>} : memref<512xi32, #tpu.memory_space<vmem>>, vector<16xi32>,
    %get3A_274 = vector.shape_cast %get3A_273 : vector<16xi32> to vector<16xi32>
    %get3A_275 = arith.constant 192 : index
    %get3A_276 = tpu.vector_load %arg11[%get3A_275] {strides = array<i32>} : memref<512xi32, #tpu.memory_space<vmem>>, vector<16xi32>,
    %get3A_277 = vector.shape_cast %get3A_276 : vector<16xi32> to vector<16xi32>
    %mul3A_278 = arith.constant 64 : i32
    %mul3A_279 = vector.broadcast %mul3A_278 : i32 to vector<16xi32>
    %mul3A_280 = arith.muli %get3A_277, %mul3A_279 : vector<16xi32>
    %add3A_281 = vector.broadcast %mul3A_20 : i32 to vector<16xi32>
    %add3A_282 = arith.addi %add3A_281, %mul3A_280 : vector<16xi32>
    %add3A_283 = arith.addi %add3A_282, %get3A_274 : vector<16xi32>
    %swap3A_284 = arith.constant 1 : i32
    %swap3A_285 = arith.index_cast %swap3A_284 : i32 to index
    %swap3A_286 = arith.constant 64 : index
    %swap3A_287 = tpu.vector_load %arg12[%swap3A_285, %swap3A_286] {strides = array<i32>} : memref<4x128xi32, #tpu.memory_space<vmem>>, vector<1x16xi32>,
    %swap3A_288 = vector.shape_cast %swap3A_287 : vector<1x16xi32> to vector<16xi32>
    %swap3A_289 = vector.shape_cast %add3A_283 : vector<16xi32> to vector<1x16xi32>
    tpu.vector_store %arg12[%swap3A_285, %swap3A_286], %swap3A_289 {strides = array<i32>} : memref<4x128xi32, #tpu.memory_space<vmem>>, vector<1x16xi32>,
    %get3A_290 = arith.constant 208 : index
    %get3A_291 = tpu.vector_load %arg10[%get3A_290] {strides = array<i32>} : memref<512xi32, #tpu.memory_space<vmem>>, vector<16xi32>,
    %get3A_292 = vector.shape_cast %get3A_291 : vector<16xi32> to vector<16xi32>
    %get3A_293 = arith.constant 208 : index
    %get3A_294 = tpu.vector_load %arg11[%get3A_293] {strides = array<i32>} : memref<512xi32, #tpu.memory_space<vmem>>, vector<16xi32>,
    %get3A_295 = vector.shape_cast %get3A_294 : vector<16xi32> to vector<16xi32>
    %mul3A_296 = arith.constant 64 : i32
    %mul3A_297 = vector.broadcast %mul3A_296 : i32 to vector<16xi32>
    %mul3A_298 = arith.muli %get3A_295, %mul3A_297 : vector<16xi32>
    %add3A_299 = vector.broadcast %mul3A_20 : i32 to vector<16xi32>
    %add3A_300 = arith.addi %add3A_299, %mul3A_298 : vector<16xi32>
    %add3A_301 = arith.addi %add3A_300, %get3A_292 : vector<16xi32>
    %swap3A_302 = arith.constant 1 : i32
    %swap3A_303 = arith.index_cast %swap3A_302 : i32 to index
    %swap3A_304 = arith.constant 80 : index
    %swap3A_305 = tpu.vector_load %arg12[%swap3A_303, %swap3A_304] {strides = array<i32>} : memref<4x128xi32, #tpu.memory_space<vmem>>, vector<1x16xi32>,
    %swap3A_306 = vector.shape_cast %swap3A_305 : vector<1x16xi32> to vector<16xi32>
    %swap3A_307 = vector.shape_cast %add3A_301 : vector<16xi32> to vector<1x16xi32>
    tpu.vector_store %arg12[%swap3A_303, %swap3A_304], %swap3A_307 {strides = array<i32>} : memref<4x128xi32, #tpu.memory_space<vmem>>, vector<1x16xi32>,
    %get3A_308 = arith.constant 224 : index
    %get3A_309 = tpu.vector_load %arg10[%get3A_308] {strides = array<i32>} : memref<512xi32, #tpu.memory_space<vmem>>, vector<16xi32>,
    %get3A_310 = vector.shape_cast %get3A_309 : vector<16xi32> to vector<16xi32>
    %get3A_311 = arith.constant 224 : index
    %get3A_312 = tpu.vector_load %arg11[%get3A_311] {strides = array<i32>} : memref<512xi32, #tpu.memory_space<vmem>>, vector<16xi32>,
    %get3A_313 = vector.shape_cast %get3A_312 : vector<16xi32> to vector<16xi32>
    %mul3A_314 = arith.constant 64 : i32
    %mul3A_315 = vector.broadcast %mul3A_314 : i32 to vector<16xi32>
    %mul3A_316 = arith.muli %get3A_313, %mul3A_315 : vector<16xi32>
    %add3A_317 = vector.broadcast %mul3A_20 : i32 to vector<16xi32>
    %add3A_318 = arith.addi %add3A_317, %mul3A_316 : vector<16xi32>
    %add3A_319 = arith.addi %add3A_318, %get3A_310 : vector<16xi32>
    %swap3A_320 = arith.constant 1 : i32
    %swap3A_321 = arith.index_cast %swap3A_320 : i32 to index
    %swap3A_322 = arith.constant 96 : index
    %swap3A_323 = tpu.vector_load %arg12[%swap3A_321, %swap3A_322] {strides = array<i32>} : memref<4x128xi32, #tpu.memory_space<vmem>>, vector<1x16xi32>,
    %swap3A_324 = vector.shape_cast %swap3A_323 : vector<1x16xi32> to vector<16xi32>
    %swap3A_325 = vector.shape_cast %add3A_319 : vector<16xi32> to vector<1x16xi32>
    tpu.vector_store %arg12[%swap3A_321, %swap3A_322], %swap3A_325 {strides = array<i32>} : memref<4x128xi32, #tpu.memory_space<vmem>>, vector<1x16xi32>,
    %get3A_326 = arith.constant 240 : index
    %get3A_327 = tpu.vector_load %arg10[%get3A_326] {strides = array<i32>} : memref<512xi32, #tpu.memory_space<vmem>>, vector<16xi32>,
    %get3A_328 = vector.shape_cast %get3A_327 : vector<16xi32> to vector<16xi32>
    %get3A_329 = arith.constant 240 : index
    %get3A_330 = tpu.vector_load %arg11[%get3A_329] {strides = array<i32>} : memref<512xi32, #tpu.memory_space<vmem>>, vector<16xi32>,
    %get3A_331 = vector.shape_cast %get3A_330 : vector<16xi32> to vector<16xi32>
    %mul3A_332 = arith.constant 64 : i32
    %mul3A_333 = vector.broadcast %mul3A_332 : i32 to vector<16xi32>
    %mul3A_334 = arith.muli %get3A_331, %mul3A_333 : vector<16xi32>
    %add3A_335 = vector.broadcast %mul3A_20 : i32 to vector<16xi32>
    %add3A_336 = arith.addi %add3A_335, %mul3A_334 : vector<16xi32>
    %add3A_337 = arith.addi %add3A_336, %get3A_328 : vector<16xi32>
    %swap3A_338 = arith.constant 1 : i32
    %swap3A_339 = arith.index_cast %swap3A_338 : i32 to index
    %swap3A_340 = arith.constant 112 : index
    %swap3A_341 = tpu.vector_load %arg12[%swap3A_339, %swap3A_340] {strides = array<i32>} : memref<4x128xi32, #tpu.memory_space<vmem>>, vector<1x16xi32>,
    %swap3A_342 = vector.shape_cast %swap3A_341 : vector<1x16xi32> to vector<16xi32>
    %swap3A_343 = vector.shape_cast %add3A_337 : vector<16xi32> to vector<1x16xi32>
    tpu.vector_store %arg12[%swap3A_339, %swap3A_340], %swap3A_343 {strides = array<i32>} : memref<4x128xi32, #tpu.memory_space<vmem>>, vector<1x16xi32>,
    %get3A_344 = arith.constant 256 : index
    %get3A_345 = tpu.vector_load %arg10[%get3A_344] {strides = array<i32>} : memref<512xi32, #tpu.memory_space<vmem>>, vector<16xi32>,
    %get3A_346 = vector.shape_cast %get3A_345 : vector<16xi32> to vector<16xi32>
    %get3A_347 = arith.constant 256 : index
    %get3A_348 = tpu.vector_load %arg11[%get3A_347] {strides = array<i32>} : memref<512xi32, #tpu.memory_space<vmem>>, vector<16xi32>,
    %get3A_349 = vector.shape_cast %get3A_348 : vector<16xi32> to vector<16xi32>
    %mul3A_350 = arith.constant 64 : i32
    %mul3A_351 = vector.broadcast %mul3A_350 : i32 to vector<16xi32>
    %mul3A_352 = arith.muli %get3A_349, %mul3A_351 : vector<16xi32>
    %add3A_353 = vector.broadcast %mul3A_20 : i32 to vector<16xi32>
    %add3A_354 = arith.addi %add3A_353, %mul3A_352 : vector<16xi32>
    %add3A_355 = arith.addi %add3A_354, %get3A_346 : vector<16xi32>
    %swap3A_356 = arith.constant 2 : i32
    %swap3A_357 = arith.index_cast %swap3A_356 : i32 to index
    %swap3A_358 = arith.constant 0 : index
    %swap3A_359 = tpu.vector_load %arg12[%swap3A_357, %swap3A_358] {strides = array<i32>} : memref<4x128xi32, #tpu.memory_space<vmem>>, vector<1x16xi32>,
    %swap3A_360 = vector.shape_cast %swap3A_359 : vector<1x16xi32> to vector<16xi32>
    %swap3A_361 = vector.shape_cast %add3A_355 : vector<16xi32> to vector<1x16xi32>
    tpu.vector_store %arg12[%swap3A_357, %swap3A_358], %swap3A_361 {strides = array<i32>} : memref<4x128xi32, #tpu.memory_space<vmem>>, vector<1x16xi32>,
    %get3A_362 = arith.constant 272 : index
    %get3A_363 = tpu.vector_load %arg10[%get3A_362] {strides = array<i32>} : memref<512xi32, #tpu.memory_space<vmem>>, vector<16xi32>,
    %get3A_364 = vector.shape_cast %get3A_363 : vector<16xi32> to vector<16xi32>
    %get3A_365 = arith.constant 272 : index
    %get3A_366 = tpu.vector_load %arg11[%get3A_365] {strides = array<i32>} : memref<512xi32, #tpu.memory_space<vmem>>, vector<16xi32>,
    %get3A_367 = vector.shape_cast %get3A_366 : vector<16xi32> to vector<16xi32>
    %mul3A_368 = arith.constant 64 : i32
    %mul3A_369 = vector.broadcast %mul3A_368 : i32 to vector<16xi32>
    %mul3A_370 = arith.muli %get3A_367, %mul3A_369 : vector<16xi32>
    %add3A_371 = vector.broadcast %mul3A_20 : i32 to vector<16xi32>
    %add3A_372 = arith.addi %add3A_371, %mul3A_370 : vector<16xi32>
    %add3A_373 = arith.addi %add3A_372, %get3A_364 : vector<16xi32>
    %swap3A_374 = arith.constant 2 : i32
    %swap3A_375 = arith.index_cast %swap3A_374 : i32 to index
    %swap3A_376 = arith.constant 16 : index
    %swap3A_377 = tpu.vector_load %arg12[%swap3A_375, %swap3A_376] {strides = array<i32>} : memref<4x128xi32, #tpu.memory_space<vmem>>, vector<1x16xi32>,
    %swap3A_378 = vector.shape_cast %swap3A_377 : vector<1x16xi32> to vector<16xi32>
    %swap3A_379 = vector.shape_cast %add3A_373 : vector<16xi32> to vector<1x16xi32>
    tpu.vector_store %arg12[%swap3A_375, %swap3A_376], %swap3A_379 {strides = array<i32>} : memref<4x128xi32, #tpu.memory_space<vmem>>, vector<1x16xi32>,
    %get3A_380 = arith.constant 288 : index
    %get3A_381 = tpu.vector_load %arg10[%get3A_380] {strides = array<i32>} : memref<512xi32, #tpu.memory_space<vmem>>, vector<16xi32>,
    %get3A_382 = vector.shape_cast %get3A_381 : vector<16xi32> to vector<16xi32>
    %get3A_383 = arith.constant 288 : index
    %get3A_384 = tpu.vector_load %arg11[%get3A_383] {strides = array<i32>} : memref<512xi32, #tpu.memory_space<vmem>>, vector<16xi32>,
    %get3A_385 = vector.shape_cast %get3A_384 : vector<16xi32> to vector<16xi32>
    %mul3A_386 = arith.constant 64 : i32
    %mul3A_387 = vector.broadcast %mul3A_386 : i32 to vector<16xi32>
    %mul3A_388 = arith.muli %get3A_385, %mul3A_387 : vector<16xi32>
    %add3A_389 = vector.broadcast %mul3A_20 : i32 to vector<16xi32>
    %add3A_390 = arith.addi %add3A_389, %mul3A_388 : vector<16xi32>
    %add3A_391 = arith.addi %add3A_390, %get3A_382 : vector<16xi32>
    %swap3A_392 = arith.constant 2 : i32
    %swap3A_393 = arith.index_cast %swap3A_392 : i32 to index
    %swap3A_394 = arith.constant 32 : index
    %swap3A_395 = tpu.vector_load %arg12[%swap3A_393, %swap3A_394] {strides = array<i32>} : memref<4x128xi32, #tpu.memory_space<vmem>>, vector<1x16xi32>,
    %swap3A_396 = vector.shape_cast %swap3A_395 : vector<1x16xi32> to vector<16xi32>
    %swap3A_397 = vector.shape_cast %add3A_391 : vector<16xi32> to vector<1x16xi32>
    tpu.vector_store %arg12[%swap3A_393, %swap3A_394], %swap3A_397 {strides = array<i32>} : memref<4x128xi32, #tpu.memory_space<vmem>>, vector<1x16xi32>,
    %get3A_398 = arith.constant 304 : index
    %get3A_399 = tpu.vector_load %arg10[%get3A_398] {strides = array<i32>} : memref<512xi32, #tpu.memory_space<vmem>>, vector<16xi32>,
    %get3A_400 = vector.shape_cast %get3A_399 : vector<16xi32> to vector<16xi32>
    %get3A_401 = arith.constant 304 : index
    %get3A_402 = tpu.vector_load %arg11[%get3A_401] {strides = array<i32>} : memref<512xi32, #tpu.memory_space<vmem>>, vector<16xi32>,
    %get3A_403 = vector.shape_cast %get3A_402 : vector<16xi32> to vector<16xi32>
    %mul3A_404 = arith.constant 64 : i32
    %mul3A_405 = vector.broadcast %mul3A_404 : i32 to vector<16xi32>
    %mul3A_406 = arith.muli %get3A_403, %mul3A_405 : vector<16xi32>
    %add3A_407 = vector.broadcast %mul3A_20 : i32 to vector<16xi32>
    %add3A_408 = arith.addi %add3A_407, %mul3A_406 : vector<16xi32>
    %add3A_409 = arith.addi %add3A_408, %get3A_400 : vector<16xi32>
    %swap3A_410 = arith.constant 2 : i32
    %swap3A_411 = arith.index_cast %swap3A_410 : i32 to index
    %swap3A_412 = arith.constant 48 : index
    %swap3A_413 = tpu.vector_load %arg12[%swap3A_411, %swap3A_412] {strides = array<i32>} : memref<4x128xi32, #tpu.memory_space<vmem>>, vector<1x16xi32>,
    %swap3A_414 = vector.shape_cast %swap3A_413 : vector<1x16xi32> to vector<16xi32>
    %swap3A_415 = vector.shape_cast %add3A_409 : vector<16xi32> to vector<1x16xi32>
    tpu.vector_store %arg12[%swap3A_411, %swap3A_412], %swap3A_415 {strides = array<i32>} : memref<4x128xi32, #tpu.memory_space<vmem>>, vector<1x16xi32>,
    %get3A_416 = arith.constant 320 : index
    %get3A_417 = tpu.vector_load %arg10[%get3A_416] {strides = array<i32>} : memref<512xi32, #tpu.memory_space<vmem>>, vector<16xi32>,
    %get3A_418 = vector.shape_cast %get3A_417 : vector<16xi32> to vector<16xi32>
    %get3A_419 = arith.constant 320 : index
    %get3A_420 = tpu.vector_load %arg11[%get3A_419] {strides = array<i32>} : memref<512xi32, #tpu.memory_space<vmem>>, vector<16xi32>,
    %get3A_421 = vector.shape_cast %get3A_420 : vector<16xi32> to vector<16xi32>
    %mul3A_422 = arith.constant 64 : i32
    %mul3A_423 = vector.broadcast %mul3A_422 : i32 to vector<16xi32>
    %mul3A_424 = arith.muli %get3A_421, %mul3A_423 : vector<16xi32>
    %add3A_425 = vector.broadcast %mul3A_20 : i32 to vector<16xi32>
    %add3A_426 = arith.addi %add3A_425, %mul3A_424 : vector<16xi32>
    %add3A_427 = arith.addi %add3A_426, %get3A_418 : vector<16xi32>
    %swap3A_428 = arith.constant 2 : i32
    %swap3A_429 = arith.index_cast %swap3A_428 : i32 to index
    %swap3A_430 = arith.constant 64 : index
    %swap3A_431 = tpu.vector_load %arg12[%swap3A_429, %swap3A_430] {strides = array<i32>} : memref<4x128xi32, #tpu.memory_space<vmem>>, vector<1x16xi32>,
    %swap3A_432 = vector.shape_cast %swap3A_431 : vector<1x16xi32> to vector<16xi32>
    %swap3A_433 = vector.shape_cast %add3A_427 : vector<16xi32> to vector<1x16xi32>
    tpu.vector_store %arg12[%swap3A_429, %swap3A_430], %swap3A_433 {strides = array<i32>} : memref<4x128xi32, #tpu.memory_space<vmem>>, vector<1x16xi32>,
    %get3A_434 = arith.constant 336 : index
    %get3A_435 = tpu.vector_load %arg10[%get3A_434] {strides = array<i32>} : memref<512xi32, #tpu.memory_space<vmem>>, vector<16xi32>,
    %get3A_436 = vector.shape_cast %get3A_435 : vector<16xi32> to vector<16xi32>
    %get3A_437 = arith.constant 336 : index
    %get3A_438 = tpu.vector_load %arg11[%get3A_437] {strides = array<i32>} : memref<512xi32, #tpu.memory_space<vmem>>, vector<16xi32>,
    %get3A_439 = vector.shape_cast %get3A_438 : vector<16xi32> to vector<16xi32>
    %mul3A_440 = arith.constant 64 : i32
    %mul3A_441 = vector.broadcast %mul3A_440 : i32 to vector<16xi32>
    %mul3A_442 = arith.muli %get3A_439, %mul3A_441 : vector<16xi32>
    %add3A_443 = vector.broadcast %mul3A_20 : i32 to vector<16xi32>
    %add3A_444 = arith.addi %add3A_443, %mul3A_442 : vector<16xi32>
    %add3A_445 = arith.addi %add3A_444, %get3A_436 : vector<16xi32>
    %swap3A_446 = arith.constant 2 : i32
    %swap3A_447 = arith.index_cast %swap3A_446 : i32 to index
    %swap3A_448 = arith.constant 80 : index
    %swap3A_449 = tpu.vector_load %arg12[%swap3A_447, %swap3A_448] {strides = array<i32>} : memref<4x128xi32, #tpu.memory_space<vmem>>, vector<1x16xi32>,
    %swap3A_450 = vector.shape_cast %swap3A_449 : vector<1x16xi32> to vector<16xi32>
    %swap3A_451 = vector.shape_cast %add3A_445 : vector<16xi32> to vector<1x16xi32>
    tpu.vector_store %arg12[%swap3A_447, %swap3A_448], %swap3A_451 {strides = array<i32>} : memref<4x128xi32, #tpu.memory_space<vmem>>, vector<1x16xi32>,
    %get3A_452 = arith.constant 352 : index
    %get3A_453 = tpu.vector_load %arg10[%get3A_452] {strides = array<i32>} : memref<512xi32, #tpu.memory_space<vmem>>, vector<16xi32>,
    %get3A_454 = vector.shape_cast %get3A_453 : vector<16xi32> to vector<16xi32>
    %get3A_455 = arith.constant 352 : index
    %get3A_456 = tpu.vector_load %arg11[%get3A_455] {strides = array<i32>} : memref<512xi32, #tpu.memory_space<vmem>>, vector<16xi32>,
    %get3A_457 = vector.shape_cast %get3A_456 : vector<16xi32> to vector<16xi32>
    %mul3A_458 = arith.constant 64 : i32
    %mul3A_459 = vector.broadcast %mul3A_458 : i32 to vector<16xi32>
    %mul3A_460 = arith.muli %get3A_457, %mul3A_459 : vector<16xi32>
    %add3A_461 = vector.broadcast %mul3A_20 : i32 to vector<16xi32>
    %add3A_462 = arith.addi %add3A_461, %mul3A_460 : vector<16xi32>
    %add3A_463 = arith.addi %add3A_462, %get3A_454 : vector<16xi32>
    %swap3A_464 = arith.constant 2 : i32
    %swap3A_465 = arith.index_cast %swap3A_464 : i32 to index
    %swap3A_466 = arith.constant 96 : index
    %swap3A_467 = tpu.vector_load %arg12[%swap3A_465, %swap3A_466] {strides = array<i32>} : memref<4x128xi32, #tpu.memory_space<vmem>>, vector<1x16xi32>,
    %swap3A_468 = vector.shape_cast %swap3A_467 : vector<1x16xi32> to vector<16xi32>
    %swap3A_469 = vector.shape_cast %add3A_463 : vector<16xi32> to vector<1x16xi32>
    tpu.vector_store %arg12[%swap3A_465, %swap3A_466], %swap3A_469 {strides = array<i32>} : memref<4x128xi32, #tpu.memory_space<vmem>>, vector<1x16xi32>,
    %get3A_470 = arith.constant 368 : index
    %get3A_471 = tpu.vector_load %arg10[%get3A_470] {strides = array<i32>} : memref<512xi32, #tpu.memory_space<vmem>>, vector<16xi32>,
    %get3A_472 = vector.shape_cast %get3A_471 : vector<16xi32> to vector<16xi32>
    %get3A_473 = arith.constant 368 : index
    %get3A_474 = tpu.vector_load %arg11[%get3A_473] {strides = array<i32>} : memref<512xi32, #tpu.memory_space<vmem>>, vector<16xi32>,
    %get3A_475 = vector.shape_cast %get3A_474 : vector<16xi32> to vector<16xi32>
    %mul3A_476 = arith.constant 64 : i32
    %mul3A_477 = vector.broadcast %mul3A_476 : i32 to vector<16xi32>
    %mul3A_478 = arith.muli %get3A_475, %mul3A_477 : vector<16xi32>
    %add3A_479 = vector.broadcast %mul3A_20 : i32 to vector<16xi32>
    %add3A_480 = arith.addi %add3A_479, %mul3A_478 : vector<16xi32>
    %add3A_481 = arith.addi %add3A_480, %get3A_472 : vector<16xi32>
    %swap3A_482 = arith.constant 2 : i32
    %swap3A_483 = arith.index_cast %swap3A_482 : i32 to index
    %swap3A_484 = arith.constant 112 : index
    %swap3A_485 = tpu.vector_load %arg12[%swap3A_483, %swap3A_484] {strides = array<i32>} : memref<4x128xi32, #tpu.memory_space<vmem>>, vector<1x16xi32>,
    %swap3A_486 = vector.shape_cast %swap3A_485 : vector<1x16xi32> to vector<16xi32>
    %swap3A_487 = vector.shape_cast %add3A_481 : vector<16xi32> to vector<1x16xi32>
    tpu.vector_store %arg12[%swap3A_483, %swap3A_484], %swap3A_487 {strides = array<i32>} : memref<4x128xi32, #tpu.memory_space<vmem>>, vector<1x16xi32>,
    %get3A_488 = arith.constant 384 : index
    %get3A_489 = tpu.vector_load %arg10[%get3A_488] {strides = array<i32>} : memref<512xi32, #tpu.memory_space<vmem>>, vector<16xi32>,
    %get3A_490 = vector.shape_cast %get3A_489 : vector<16xi32> to vector<16xi32>
    %get3A_491 = arith.constant 384 : index
    %get3A_492 = tpu.vector_load %arg11[%get3A_491] {strides = array<i32>} : memref<512xi32, #tpu.memory_space<vmem>>, vector<16xi32>,
    %get3A_493 = vector.shape_cast %get3A_492 : vector<16xi32> to vector<16xi32>
    %mul3A_494 = arith.constant 64 : i32
    %mul3A_495 = vector.broadcast %mul3A_494 : i32 to vector<16xi32>
    %mul3A_496 = arith.muli %get3A_493, %mul3A_495 : vector<16xi32>
    %add3A_497 = vector.broadcast %mul3A_20 : i32 to vector<16xi32>
    %add3A_498 = arith.addi %add3A_497, %mul3A_496 : vector<16xi32>
    %add3A_499 = arith.addi %add3A_498, %get3A_490 : vector<16xi32>
    %swap3A_500 = arith.constant 3 : i32
    %swap3A_501 = arith.index_cast %swap3A_500 : i32 to index
    %swap3A_502 = arith.constant 0 : index
    %swap3A_503 = tpu.vector_load %arg12[%swap3A_501, %swap3A_502] {strides = array<i32>} : memref<4x128xi32, #tpu.memory_space<vmem>>, vector<1x16xi32>,
    %swap3A_504 = vector.shape_cast %swap3A_503 : vector<1x16xi32> to vector<16xi32>
    %swap3A_505 = vector.shape_cast %add3A_499 : vector<16xi32> to vector<1x16xi32>
    tpu.vector_store %arg12[%swap3A_501, %swap3A_502], %swap3A_505 {strides = array<i32>} : memref<4x128xi32, #tpu.memory_space<vmem>>, vector<1x16xi32>,
    %get3A_506 = arith.constant 400 : index
    %get3A_507 = tpu.vector_load %arg10[%get3A_506] {strides = array<i32>} : memref<512xi32, #tpu.memory_space<vmem>>, vector<16xi32>,
    %get3A_508 = vector.shape_cast %get3A_507 : vector<16xi32> to vector<16xi32>
    %get3A_509 = arith.constant 400 : index
    %get3A_510 = tpu.vector_load %arg11[%get3A_509] {strides = array<i32>} : memref<512xi32, #tpu.memory_space<vmem>>, vector<16xi32>,
    %get3A_511 = vector.shape_cast %get3A_510 : vector<16xi32> to vector<16xi32>
    %mul3A_512 = arith.constant 64 : i32
    %mul3A_513 = vector.broadcast %mul3A_512 : i32 to vector<16xi32>
    %mul3A_514 = arith.muli %get3A_511, %mul3A_513 : vector<16xi32>
    %add3A_515 = vector.broadcast %mul3A_20 : i32 to vector<16xi32>
    %add3A_516 = arith.addi %add3A_515, %mul3A_514 : vector<16xi32>
    %add3A_517 = arith.addi %add3A_516, %get3A_508 : vector<16xi32>
    %swap3A_518 = arith.constant 3 : i32
    %swap3A_519 = arith.index_cast %swap3A_518 : i32 to index
    %swap3A_520 = arith.constant 16 : index
    %swap3A_521 = tpu.vector_load %arg12[%swap3A_519, %swap3A_520] {strides = array<i32>} : memref<4x128xi32, #tpu.memory_space<vmem>>, vector<1x16xi32>,
    %swap3A_522 = vector.shape_cast %swap3A_521 : vector<1x16xi32> to vector<16xi32>
    %swap3A_523 = vector.shape_cast %add3A_517 : vector<16xi32> to vector<1x16xi32>
    tpu.vector_store %arg12[%swap3A_519, %swap3A_520], %swap3A_523 {strides = array<i32>} : memref<4x128xi32, #tpu.memory_space<vmem>>, vector<1x16xi32>,
    %get3A_524 = arith.constant 416 : index
    %get3A_525 = tpu.vector_load %arg10[%get3A_524] {strides = array<i32>} : memref<512xi32, #tpu.memory_space<vmem>>, vector<16xi32>,
    %get3A_526 = vector.shape_cast %get3A_525 : vector<16xi32> to vector<16xi32>
    %get3A_527 = arith.constant 416 : index
    %get3A_528 = tpu.vector_load %arg11[%get3A_527] {strides = array<i32>} : memref<512xi32, #tpu.memory_space<vmem>>, vector<16xi32>,
    %get3A_529 = vector.shape_cast %get3A_528 : vector<16xi32> to vector<16xi32>
    %mul3A_530 = arith.constant 64 : i32
    %mul3A_531 = vector.broadcast %mul3A_530 : i32 to vector<16xi32>
    %mul3A_532 = arith.muli %get3A_529, %mul3A_531 : vector<16xi32>
    %add3A_533 = vector.broadcast %mul3A_20 : i32 to vector<16xi32>
    %add3A_534 = arith.addi %add3A_533, %mul3A_532 : vector<16xi32>
    %add3A_535 = arith.addi %add3A_534, %get3A_526 : vector<16xi32>
    %swap3A_536 = arith.constant 3 : i32
    %swap3A_537 = arith.index_cast %swap3A_536 : i32 to index
    %swap3A_538 = arith.constant 32 : index
    %swap3A_539 = tpu.vector_load %arg12[%swap3A_537, %swap3A_538] {strides = array<i32>} : memref<4x128xi32, #tpu.memory_space<vmem>>, vector<1x16xi32>,
    %swap3A_540 = vector.shape_cast %swap3A_539 : vector<1x16xi32> to vector<16xi32>
    %swap3A_541 = vector.shape_cast %add3A_535 : vector<16xi32> to vector<1x16xi32>
    tpu.vector_store %arg12[%swap3A_537, %swap3A_538], %swap3A_541 {strides = array<i32>} : memref<4x128xi32, #tpu.memory_space<vmem>>, vector<1x16xi32>,
    %get3A_542 = arith.constant 432 : index
    %get3A_543 = tpu.vector_load %arg10[%get3A_542] {strides = array<i32>} : memref<512xi32, #tpu.memory_space<vmem>>, vector<16xi32>,
    %get3A_544 = vector.shape_cast %get3A_543 : vector<16xi32> to vector<16xi32>
    %get3A_545 = arith.constant 432 : index
    %get3A_546 = tpu.vector_load %arg11[%get3A_545] {strides = array<i32>} : memref<512xi32, #tpu.memory_space<vmem>>, vector<16xi32>,
    %get3A_547 = vector.shape_cast %get3A_546 : vector<16xi32> to vector<16xi32>
    %mul3A_548 = arith.constant 64 : i32
    %mul3A_549 = vector.broadcast %mul3A_548 : i32 to vector<16xi32>
    %mul3A_550 = arith.muli %get3A_547, %mul3A_549 : vector<16xi32>
    %add3A_551 = vector.broadcast %mul3A_20 : i32 to vector<16xi32>
    %add3A_552 = arith.addi %add3A_551, %mul3A_550 : vector<16xi32>
    %add3A_553 = arith.addi %add3A_552, %get3A_544 : vector<16xi32>
    %swap3A_554 = arith.constant 3 : i32
    %swap3A_555 = arith.index_cast %swap3A_554 : i32 to index
    %swap3A_556 = arith.constant 48 : index
    %swap3A_557 = tpu.vector_load %arg12[%swap3A_555, %swap3A_556] {strides = array<i32>} : memref<4x128xi32, #tpu.memory_space<vmem>>, vector<1x16xi32>,
    %swap3A_558 = vector.shape_cast %swap3A_557 : vector<1x16xi32> to vector<16xi32>
    %swap3A_559 = vector.shape_cast %add3A_553 : vector<16xi32> to vector<1x16xi32>
    tpu.vector_store %arg12[%swap3A_555, %swap3A_556], %swap3A_559 {strides = array<i32>} : memref<4x128xi32, #tpu.memory_space<vmem>>, vector<1x16xi32>,
    %get3A_560 = arith.constant 448 : index
    %get3A_561 = tpu.vector_load %arg10[%get3A_560] {strides = array<i32>} : memref<512xi32, #tpu.memory_space<vmem>>, vector<16xi32>,
    %get3A_562 = vector.shape_cast %get3A_561 : vector<16xi32> to vector<16xi32>
    %get3A_563 = arith.constant 448 : index
    %get3A_564 = tpu.vector_load %arg11[%get3A_563] {strides = array<i32>} : memref<512xi32, #tpu.memory_space<vmem>>, vector<16xi32>,
    %get3A_565 = vector.shape_cast %get3A_564 : vector<16xi32> to vector<16xi32>
    %mul3A_566 = arith.constant 64 : i32
    %mul3A_567 = vector.broadcast %mul3A_566 : i32 to vector<16xi32>
    %mul3A_568 = arith.muli %get3A_565, %mul3A_567 : vector<16xi32>
    %add3A_569 = vector.broadcast %mul3A_20 : i32 to vector<16xi32>
    %add3A_570 = arith.addi %add3A_569, %mul3A_568 : vector<16xi32>
    %add3A_571 = arith.addi %add3A_570, %get3A_562 : vector<16xi32>
    %swap3A_572 = arith.constant 3 : i32
    %swap3A_573 = arith.index_cast %swap3A_572 : i32 to index
    %swap3A_574 = arith.constant 64 : index
    %swap3A_575 = tpu.vector_load %arg12[%swap3A_573, %swap3A_574] {strides = array<i32>} : memref<4x128xi32, #tpu.memory_space<vmem>>, vector<1x16xi32>,
    %swap3A_576 = vector.shape_cast %swap3A_575 : vector<1x16xi32> to vector<16xi32>
    %swap3A_577 = vector.shape_cast %add3A_571 : vector<16xi32> to vector<1x16xi32>
    tpu.vector_store %arg12[%swap3A_573, %swap3A_574], %swap3A_577 {strides = array<i32>} : memref<4x128xi32, #tpu.memory_space<vmem>>, vector<1x16xi32>,
    %get3A_578 = arith.constant 464 : index
    %get3A_579 = tpu.vector_load %arg10[%get3A_578] {strides = array<i32>} : memref<512xi32, #tpu.memory_space<vmem>>, vector<16xi32>,
    %get3A_580 = vector.shape_cast %get3A_579 : vector<16xi32> to vector<16xi32>
    %get3A_581 = arith.constant 464 : index
    %get3A_582 = tpu.vector_load %arg11[%get3A_581] {strides = array<i32>} : memref<512xi32, #tpu.memory_space<vmem>>, vector<16xi32>,
    %get3A_583 = vector.shape_cast %get3A_582 : vector<16xi32> to vector<16xi32>
    %mul3A_584 = arith.constant 64 : i32
    %mul3A_585 = vector.broadcast %mul3A_584 : i32 to vector<16xi32>
    %mul3A_586 = arith.muli %get3A_583, %mul3A_585 : vector<16xi32>
    %add3A_587 = vector.broadcast %mul3A_20 : i32 to vector<16xi32>
    %add3A_588 = arith.addi %add3A_587, %mul3A_586 : vector<16xi32>
    %add3A_589 = arith.addi %add3A_588, %get3A_580 : vector<16xi32>
    %swap3A_590 = arith.constant 3 : i32
    %swap3A_591 = arith.index_cast %swap3A_590 : i32 to index
    %swap3A_592 = arith.constant 80 : index
    %swap3A_593 = tpu.vector_load %arg12[%swap3A_591, %swap3A_592] {strides = array<i32>} : memref<4x128xi32, #tpu.memory_space<vmem>>, vector<1x16xi32>,
    %swap3A_594 = vector.shape_cast %swap3A_593 : vector<1x16xi32> to vector<16xi32>
    %swap3A_595 = vector.shape_cast %add3A_589 : vector<16xi32> to vector<1x16xi32>
    tpu.vector_store %arg12[%swap3A_591, %swap3A_592], %swap3A_595 {strides = array<i32>} : memref<4x128xi32, #tpu.memory_space<vmem>>, vector<1x16xi32>,
    %get3A_596 = arith.constant 480 : index
    %get3A_597 = tpu.vector_load %arg10[%get3A_596] {strides = array<i32>} : memref<512xi32, #tpu.memory_space<vmem>>, vector<16xi32>,
    %get3A_598 = vector.shape_cast %get3A_597 : vector<16xi32> to vector<16xi32>
    %get3A_599 = arith.constant 480 : index
    %get3A_600 = tpu.vector_load %arg11[%get3A_599] {strides = array<i32>} : memref<512xi32, #tpu.memory_space<vmem>>, vector<16xi32>,
    %get3A_601 = vector.shape_cast %get3A_600 : vector<16xi32> to vector<16xi32>
    %mul3A_602 = arith.constant 64 : i32
    %mul3A_603 = vector.broadcast %mul3A_602 : i32 to vector<16xi32>
    %mul3A_604 = arith.muli %get3A_601, %mul3A_603 : vector<16xi32>
    %add3A_605 = vector.broadcast %mul3A_20 : i32 to vector<16xi32>
    %add3A_606 = arith.addi %add3A_605, %mul3A_604 : vector<16xi32>
    %add3A_607 = arith.addi %add3A_606, %get3A_598 : vector<16xi32>
    %swap3A_608 = arith.constant 3 : i32
    %swap3A_609 = arith.index_cast %swap3A_608 : i32 to index
    %swap3A_610 = arith.constant 96 : index
    %swap3A_611 = tpu.vector_load %arg12[%swap3A_609, %swap3A_610] {strides = array<i32>} : memref<4x128xi32, #tpu.memory_space<vmem>>, vector<1x16xi32>,
    %swap3A_612 = vector.shape_cast %swap3A_611 : vector<1x16xi32> to vector<16xi32>
    %swap3A_613 = vector.shape_cast %add3A_607 : vector<16xi32> to vector<1x16xi32>
    tpu.vector_store %arg12[%swap3A_609, %swap3A_610], %swap3A_613 {strides = array<i32>} : memref<4x128xi32, #tpu.memory_space<vmem>>, vector<1x16xi32>,
    %get3A_614 = arith.constant 496 : index
    %get3A_615 = tpu.vector_load %arg10[%get3A_614] {strides = array<i32>} : memref<512xi32, #tpu.memory_space<vmem>>, vector<16xi32>,
    %get3A_616 = vector.shape_cast %get3A_615 : vector<16xi32> to vector<16xi32>
    %get3A_617 = arith.constant 496 : index
    %get3A_618 = tpu.vector_load %arg11[%get3A_617] {strides = array<i32>} : memref<512xi32, #tpu.memory_space<vmem>>, vector<16xi32>,
    %get3A_619 = vector.shape_cast %get3A_618 : vector<16xi32> to vector<16xi32>
    %mul3A_620 = arith.constant 64 : i32
    %mul3A_621 = vector.broadcast %mul3A_620 : i32 to vector<16xi32>
    %mul3A_622 = arith.muli %get3A_619, %mul3A_621 : vector<16xi32>
    %add3A_623 = vector.broadcast %mul3A_20 : i32 to vector<16xi32>
    %add3A_624 = arith.addi %add3A_623, %mul3A_622 : vector<16xi32>
    %add3A_625 = arith.addi %add3A_624, %get3A_616 : vector<16xi32>
    %swap3A_626 = arith.constant 3 : i32
    %swap3A_627 = arith.index_cast %swap3A_626 : i32 to index
    %swap3A_628 = arith.constant 112 : index
    %swap3A_629 = tpu.vector_load %arg12[%swap3A_627, %swap3A_628] {strides = array<i32>} : memref<4x128xi32, #tpu.memory_space<vmem>>, vector<1x16xi32>,
    %swap3A_630 = vector.shape_cast %swap3A_629 : vector<1x16xi32> to vector<16xi32>
    %swap3A_631 = vector.shape_cast %add3A_625 : vector<16xi32> to vector<1x16xi32>
    tpu.vector_store %arg12[%swap3A_627, %swap3A_628], %swap3A_631 {strides = array<i32>} : memref<4x128xi32, #tpu.memory_space<vmem>>, vector<1x16xi32>,
    %barrier3A = arith.constant 0 : index
    tpu.barrier barrier_id(%barrier3A)
    %run_scoped3A = arith.constant 0 : i32
    "tpu.region"() ({
      %run_scoped3A_648 = tpu.sem_alloc : memref<!tpu.dma_semaphore, #tpu.memory_space<semaphore_mem>>
      %dma_start3A_649 = arith.constant 0 : i32
      %dma_start3A_650 = arith.constant 0 : i32
      %dma_start3A_651 = tpu.memref_slice %arg7[%dma_start3A_649, %dma_start3A_650] : memref<512x32xf32, #tpu.memory_space<vmem>> -> memref<128x32xf32, #tpu.memory_space<vmem>>
      %dma_start3A_652 = arith.constant 0 : i32
      %dma_start3A_653 = tpu.memref_slice %arg12[%run_scoped3A, %dma_start3A_652] : memref<4x128xi32, #tpu.memory_space<vmem>> -> memref<1x128xi32, #tpu.memory_space<vmem>>
      %dma_start3A_654 = tpu.memref_squeeze %dma_start3A_653 : memref<1x128xi32, #tpu.memory_space<vmem>> -> memref<128xi32, #tpu.memory_space<vmem>>
      %dma_start3A_655 = arith.constant 0 : i32
      %dma_start3A_656 = arith.constant 0 : i32
      %dma_start3A_657 = tpu.memref_slice %arg13[%dma_start3A_655, %dma_start3A_656] : memref<1152x32xf32, #tpu.memory_space<vmem_shared>> -> memref<1152x32xf32, #tpu.memory_space<vmem_shared>>
      tpu.enqueue_indirect_dma source(%dma_start3A_651 : memref<128x32xf32, #tpu.memory_space<vmem>>) target(%dma_start3A_657 : memref<1152x32xf32, #tpu.memory_space<vmem_shared>>) offsets(%dma_start3A_654 : memref<128xi32, #tpu.memory_space<vmem>>) semaphore(%run_scoped3A_648 : memref<!tpu.dma_semaphore, #tpu.memory_space<semaphore_mem>>) {add = true}
      %dma_wait3A_658 = arith.constant 0 : i32
      %dma_wait3A_659 = arith.constant 0 : i32
      %dma_wait3A_660 = tpu.memref_slice %arg7[%dma_wait3A_658, %dma_wait3A_659] : memref<512x32xf32, #tpu.memory_space<vmem>> -> memref<128x32xf32, #tpu.memory_space<vmem>>
      %dma_wait3A_661 = arith.constant 0 : i32
      %dma_wait3A_662 = tpu.memref_slice %arg12[%run_scoped3A, %dma_wait3A_661] : memref<4x128xi32, #tpu.memory_space<vmem>> -> memref<1x128xi32, #tpu.memory_space<vmem>>
      %dma_wait3A_663 = tpu.memref_squeeze %dma_wait3A_662 : memref<1x128xi32, #tpu.memory_space<vmem>> -> memref<128xi32, #tpu.memory_space<vmem>>
      %dma_wait3A_664 = arith.constant 0 : i32
      %dma_wait3A_665 = arith.constant 0 : i32
      %dma_wait3A_666 = tpu.memref_slice %arg13[%dma_wait3A_664, %dma_wait3A_665] : memref<1152x32xf32, #tpu.memory_space<vmem_shared>> -> memref<1152x32xf32, #tpu.memory_space<vmem_shared>>
      tpu.wait_indirect_dma semaphore(%run_scoped3A_648 : memref<!tpu.dma_semaphore, #tpu.memory_space<semaphore_mem>>) src(%dma_wait3A_660 : memref<128x32xf32, #tpu.memory_space<vmem>>) dst(%dma_wait3A_666 : memref<1152x32xf32, #tpu.memory_space<vmem_shared>>)
      tpu.yield
    }) : () -> ()
    %run_scoped3A_632 = arith.constant 0 : i32
    "tpu.region"() ({
      %run_scoped3A_648 = tpu.sem_alloc : memref<!tpu.dma_semaphore, #tpu.memory_space<semaphore_mem>>
      %dma_start3A_649 = arith.constant 0 : i32
      %dma_start3A_650 = tpu.memref_slice %arg12[%run_scoped3A_632, %dma_start3A_649] : memref<4x128xi32, #tpu.memory_space<vmem>> -> memref<1x128xi32, #tpu.memory_space<vmem>>
      %dma_start3A_651 = tpu.memref_squeeze %dma_start3A_650 : memref<1x128xi32, #tpu.memory_space<vmem>> -> memref<128xi32, #tpu.memory_space<vmem>>
      %dma_start3A_652 = arith.constant 0 : i32
      %dma_start3A_653 = arith.constant 0 : i32
      %dma_start3A_654 = tpu.memref_slice %arg14[%dma_start3A_652, %dma_start3A_653] : memref<1152x16xf32, #tpu.memory_space<vmem_shared>> -> memref<1152x16xf32, #tpu.memory_space<vmem_shared>>
      tpu.enqueue_indirect_dma source(%arg8 : memref<128x16xf32, #tpu.memory_space<vmem>>) target(%dma_start3A_654 : memref<1152x16xf32, #tpu.memory_space<vmem_shared>>) offsets(%dma_start3A_651 : memref<128xi32, #tpu.memory_space<vmem>>) semaphore(%run_scoped3A_648 : memref<!tpu.dma_semaphore, #tpu.memory_space<semaphore_mem>>) {add = true}
      %dma_wait3A_655 = arith.constant 0 : i32
      %dma_wait3A_656 = tpu.memref_slice %arg12[%run_scoped3A_632, %dma_wait3A_655] : memref<4x128xi32, #tpu.memory_space<vmem>> -> memref<1x128xi32, #tpu.memory_space<vmem>>
      %dma_wait3A_657 = tpu.memref_squeeze %dma_wait3A_656 : memref<1x128xi32, #tpu.memory_space<vmem>> -> memref<128xi32, #tpu.memory_space<vmem>>
      %dma_wait3A_658 = arith.constant 0 : i32
      %dma_wait3A_659 = arith.constant 0 : i32
      %dma_wait3A_660 = tpu.memref_slice %arg14[%dma_wait3A_658, %dma_wait3A_659] : memref<1152x16xf32, #tpu.memory_space<vmem_shared>> -> memref<1152x16xf32, #tpu.memory_space<vmem_shared>>
      tpu.wait_indirect_dma semaphore(%run_scoped3A_648 : memref<!tpu.dma_semaphore, #tpu.memory_space<semaphore_mem>>) src(%arg8 : memref<128x16xf32, #tpu.memory_space<vmem>>) dst(%dma_wait3A_660 : memref<1152x16xf32, #tpu.memory_space<vmem_shared>>)
      tpu.yield
    }) : () -> ()
    %run_scoped3A_633 = arith.constant 1 : i32
    "tpu.region"() ({
      %run_scoped3A_648 = tpu.sem_alloc : memref<!tpu.dma_semaphore, #tpu.memory_space<semaphore_mem>>
      %dma_start3A_649 = arith.constant 128 : i32
      %dma_start3A_650 = arith.constant 0 : i32
      %dma_start3A_651 = tpu.memref_slice %arg7[%dma_start3A_649, %dma_start3A_650] : memref<512x32xf32, #tpu.memory_space<vmem>> -> memref<128x32xf32, #tpu.memory_space<vmem>>
      %dma_start3A_652 = arith.constant 0 : i32
      %dma_start3A_653 = tpu.memref_slice %arg12[%run_scoped3A_633, %dma_start3A_652] : memref<4x128xi32, #tpu.memory_space<vmem>> -> memref<1x128xi32, #tpu.memory_space<vmem>>
      %dma_start3A_654 = tpu.memref_squeeze %dma_start3A_653 : memref<1x128xi32, #tpu.memory_space<vmem>> -> memref<128xi32, #tpu.memory_space<vmem>>
      %dma_start3A_655 = arith.constant 0 : i32
      %dma_start3A_656 = arith.constant 0 : i32
      %dma_start3A_657 = tpu.memref_slice %arg13[%dma_start3A_655, %dma_start3A_656] : memref<1152x32xf32, #tpu.memory_space<vmem_shared>> -> memref<1152x32xf32, #tpu.memory_space<vmem_shared>>
      tpu.enqueue_indirect_dma source(%dma_start3A_651 : memref<128x32xf32, #tpu.memory_space<vmem>>) target(%dma_start3A_657 : memref<1152x32xf32, #tpu.memory_space<vmem_shared>>) offsets(%dma_start3A_654 : memref<128xi32, #tpu.memory_space<vmem>>) semaphore(%run_scoped3A_648 : memref<!tpu.dma_semaphore, #tpu.memory_space<semaphore_mem>>) {add = true}
      %dma_wait3A_658 = arith.constant 128 : i32
      %dma_wait3A_659 = arith.constant 0 : i32
      %dma_wait3A_660 = tpu.memref_slice %arg7[%dma_wait3A_658, %dma_wait3A_659] : memref<512x32xf32, #tpu.memory_space<vmem>> -> memref<128x32xf32, #tpu.memory_space<vmem>>
      %dma_wait3A_661 = arith.constant 0 : i32
      %dma_wait3A_662 = tpu.memref_slice %arg12[%run_scoped3A_633, %dma_wait3A_661] : memref<4x128xi32, #tpu.memory_space<vmem>> -> memref<1x128xi32, #tpu.memory_space<vmem>>
      %dma_wait3A_663 = tpu.memref_squeeze %dma_wait3A_662 : memref<1x128xi32, #tpu.memory_space<vmem>> -> memref<128xi32, #tpu.memory_space<vmem>>
      %dma_wait3A_664 = arith.constant 0 : i32
      %dma_wait3A_665 = arith.constant 0 : i32
      %dma_wait3A_666 = tpu.memref_slice %arg13[%dma_wait3A_664, %dma_wait3A_665] : memref<1152x32xf32, #tpu.memory_space<vmem_shared>> -> memref<1152x32xf32, #tpu.memory_space<vmem_shared>>
      tpu.wait_indirect_dma semaphore(%run_scoped3A_648 : memref<!tpu.dma_semaphore, #tpu.memory_space<semaphore_mem>>) src(%dma_wait3A_660 : memref<128x32xf32, #tpu.memory_space<vmem>>) dst(%dma_wait3A_666 : memref<1152x32xf32, #tpu.memory_space<vmem_shared>>)
      tpu.yield
    }) : () -> ()
    %run_scoped3A_634 = arith.constant 1 : i32
    "tpu.region"() ({
      %run_scoped3A_648 = tpu.sem_alloc : memref<!tpu.dma_semaphore, #tpu.memory_space<semaphore_mem>>
      %dma_start3A_649 = arith.constant 0 : i32
      %dma_start3A_650 = tpu.memref_slice %arg12[%run_scoped3A_634, %dma_start3A_649] : memref<4x128xi32, #tpu.memory_space<vmem>> -> memref<1x128xi32, #tpu.memory_space<vmem>>
      %dma_start3A_651 = tpu.memref_squeeze %dma_start3A_650 : memref<1x128xi32, #tpu.memory_space<vmem>> -> memref<128xi32, #tpu.memory_space<vmem>>
      %dma_start3A_652 = arith.constant 0 : i32
      %dma_start3A_653 = arith.constant 0 : i32
      %dma_start3A_654 = tpu.memref_slice %arg14[%dma_start3A_652, %dma_start3A_653] : memref<1152x16xf32, #tpu.memory_space<vmem_shared>> -> memref<1152x16xf32, #tpu.memory_space<vmem_shared>>
      tpu.enqueue_indirect_dma source(%arg8 : memref<128x16xf32, #tpu.memory_space<vmem>>) target(%dma_start3A_654 : memref<1152x16xf32, #tpu.memory_space<vmem_shared>>) offsets(%dma_start3A_651 : memref<128xi32, #tpu.memory_space<vmem>>) semaphore(%run_scoped3A_648 : memref<!tpu.dma_semaphore, #tpu.memory_space<semaphore_mem>>) {add = true}
      %dma_wait3A_655 = arith.constant 0 : i32
      %dma_wait3A_656 = tpu.memref_slice %arg12[%run_scoped3A_634, %dma_wait3A_655] : memref<4x128xi32, #tpu.memory_space<vmem>> -> memref<1x128xi32, #tpu.memory_space<vmem>>
      %dma_wait3A_657 = tpu.memref_squeeze %dma_wait3A_656 : memref<1x128xi32, #tpu.memory_space<vmem>> -> memref<128xi32, #tpu.memory_space<vmem>>
      %dma_wait3A_658 = arith.constant 0 : i32
      %dma_wait3A_659 = arith.constant 0 : i32
      %dma_wait3A_660 = tpu.memref_slice %arg14[%dma_wait3A_658, %dma_wait3A_659] : memref<1152x16xf32, #tpu.memory_space<vmem_shared>> -> memref<1152x16xf32, #tpu.memory_space<vmem_shared>>
      tpu.wait_indirect_dma semaphore(%run_scoped3A_648 : memref<!tpu.dma_semaphore, #tpu.memory_space<semaphore_mem>>) src(%arg8 : memref<128x16xf32, #tpu.memory_space<vmem>>) dst(%dma_wait3A_660 : memref<1152x16xf32, #tpu.memory_space<vmem_shared>>)
      tpu.yield
    }) : () -> ()
    %run_scoped3A_635 = arith.constant 2 : i32
    "tpu.region"() ({
      %run_scoped3A_648 = tpu.sem_alloc : memref<!tpu.dma_semaphore, #tpu.memory_space<semaphore_mem>>
      %dma_start3A_649 = arith.constant 256 : i32
      %dma_start3A_650 = arith.constant 0 : i32
      %dma_start3A_651 = tpu.memref_slice %arg7[%dma_start3A_649, %dma_start3A_650] : memref<512x32xf32, #tpu.memory_space<vmem>> -> memref<128x32xf32, #tpu.memory_space<vmem>>
      %dma_start3A_652 = arith.constant 0 : i32
      %dma_start3A_653 = tpu.memref_slice %arg12[%run_scoped3A_635, %dma_start3A_652] : memref<4x128xi32, #tpu.memory_space<vmem>> -> memref<1x128xi32, #tpu.memory_space<vmem>>
      %dma_start3A_654 = tpu.memref_squeeze %dma_start3A_653 : memref<1x128xi32, #tpu.memory_space<vmem>> -> memref<128xi32, #tpu.memory_space<vmem>>
      %dma_start3A_655 = arith.constant 0 : i32
      %dma_start3A_656 = arith.constant 0 : i32
      %dma_start3A_657 = tpu.memref_slice %arg13[%dma_start3A_655, %dma_start3A_656] : memref<1152x32xf32, #tpu.memory_space<vmem_shared>> -> memref<1152x32xf32, #tpu.memory_space<vmem_shared>>
      tpu.enqueue_indirect_dma source(%dma_start3A_651 : memref<128x32xf32, #tpu.memory_space<vmem>>) target(%dma_start3A_657 : memref<1152x32xf32, #tpu.memory_space<vmem_shared>>) offsets(%dma_start3A_654 : memref<128xi32, #tpu.memory_space<vmem>>) semaphore(%run_scoped3A_648 : memref<!tpu.dma_semaphore, #tpu.memory_space<semaphore_mem>>) {add = true}
      %dma_wait3A_658 = arith.constant 256 : i32
      %dma_wait3A_659 = arith.constant 0 : i32
      %dma_wait3A_660 = tpu.memref_slice %arg7[%dma_wait3A_658, %dma_wait3A_659] : memref<512x32xf32, #tpu.memory_space<vmem>> -> memref<128x32xf32, #tpu.memory_space<vmem>>
      %dma_wait3A_661 = arith.constant 0 : i32
      %dma_wait3A_662 = tpu.memref_slice %arg12[%run_scoped3A_635, %dma_wait3A_661] : memref<4x128xi32, #tpu.memory_space<vmem>> -> memref<1x128xi32, #tpu.memory_space<vmem>>
      %dma_wait3A_663 = tpu.memref_squeeze %dma_wait3A_662 : memref<1x128xi32, #tpu.memory_space<vmem>> -> memref<128xi32, #tpu.memory_space<vmem>>
      %dma_wait3A_664 = arith.constant 0 : i32
      %dma_wait3A_665 = arith.constant 0 : i32
      %dma_wait3A_666 = tpu.memref_slice %arg13[%dma_wait3A_664, %dma_wait3A_665] : memref<1152x32xf32, #tpu.memory_space<vmem_shared>> -> memref<1152x32xf32, #tpu.memory_space<vmem_shared>>
      tpu.wait_indirect_dma semaphore(%run_scoped3A_648 : memref<!tpu.dma_semaphore, #tpu.memory_space<semaphore_mem>>) src(%dma_wait3A_660 : memref<128x32xf32, #tpu.memory_space<vmem>>) dst(%dma_wait3A_666 : memref<1152x32xf32, #tpu.memory_space<vmem_shared>>)
      tpu.yield
    }) : () -> ()
    %run_scoped3A_636 = arith.constant 2 : i32
    "tpu.region"() ({
      %run_scoped3A_648 = tpu.sem_alloc : memref<!tpu.dma_semaphore, #tpu.memory_space<semaphore_mem>>
      %dma_start3A_649 = arith.constant 0 : i32
      %dma_start3A_650 = tpu.memref_slice %arg12[%run_scoped3A_636, %dma_start3A_649] : memref<4x128xi32, #tpu.memory_space<vmem>> -> memref<1x128xi32, #tpu.memory_space<vmem>>
      %dma_start3A_651 = tpu.memref_squeeze %dma_start3A_650 : memref<1x128xi32, #tpu.memory_space<vmem>> -> memref<128xi32, #tpu.memory_space<vmem>>
      %dma_start3A_652 = arith.constant 0 : i32
      %dma_start3A_653 = arith.constant 0 : i32
      %dma_start3A_654 = tpu.memref_slice %arg14[%dma_start3A_652, %dma_start3A_653] : memref<1152x16xf32, #tpu.memory_space<vmem_shared>> -> memref<1152x16xf32, #tpu.memory_space<vmem_shared>>
      tpu.enqueue_indirect_dma source(%arg8 : memref<128x16xf32, #tpu.memory_space<vmem>>) target(%dma_start3A_654 : memref<1152x16xf32, #tpu.memory_space<vmem_shared>>) offsets(%dma_start3A_651 : memref<128xi32, #tpu.memory_space<vmem>>) semaphore(%run_scoped3A_648 : memref<!tpu.dma_semaphore, #tpu.memory_space<semaphore_mem>>) {add = true}
      %dma_wait3A_655 = arith.constant 0 : i32
      %dma_wait3A_656 = tpu.memref_slice %arg12[%run_scoped3A_636, %dma_wait3A_655] : memref<4x128xi32, #tpu.memory_space<vmem>> -> memref<1x128xi32, #tpu.memory_space<vmem>>
      %dma_wait3A_657 = tpu.memref_squeeze %dma_wait3A_656 : memref<1x128xi32, #tpu.memory_space<vmem>> -> memref<128xi32, #tpu.memory_space<vmem>>
      %dma_wait3A_658 = arith.constant 0 : i32
      %dma_wait3A_659 = arith.constant 0 : i32
      %dma_wait3A_660 = tpu.memref_slice %arg14[%dma_wait3A_658, %dma_wait3A_659] : memref<1152x16xf32, #tpu.memory_space<vmem_shared>> -> memref<1152x16xf32, #tpu.memory_space<vmem_shared>>
      tpu.wait_indirect_dma semaphore(%run_scoped3A_648 : memref<!tpu.dma_semaphore, #tpu.memory_space<semaphore_mem>>) src(%arg8 : memref<128x16xf32, #tpu.memory_space<vmem>>) dst(%dma_wait3A_660 : memref<1152x16xf32, #tpu.memory_space<vmem_shared>>)
      tpu.yield
    }) : () -> ()
    %run_scoped3A_637 = arith.constant 3 : i32
    "tpu.region"() ({
      %run_scoped3A_648 = tpu.sem_alloc : memref<!tpu.dma_semaphore, #tpu.memory_space<semaphore_mem>>
      %dma_start3A_649 = arith.constant 384 : i32
      %dma_start3A_650 = arith.constant 0 : i32
      %dma_start3A_651 = tpu.memref_slice %arg7[%dma_start3A_649, %dma_start3A_650] : memref<512x32xf32, #tpu.memory_space<vmem>> -> memref<128x32xf32, #tpu.memory_space<vmem>>
      %dma_start3A_652 = arith.constant 0 : i32
      %dma_start3A_653 = tpu.memref_slice %arg12[%run_scoped3A_637, %dma_start3A_652] : memref<4x128xi32, #tpu.memory_space<vmem>> -> memref<1x128xi32, #tpu.memory_space<vmem>>
      %dma_start3A_654 = tpu.memref_squeeze %dma_start3A_653 : memref<1x128xi32, #tpu.memory_space<vmem>> -> memref<128xi32, #tpu.memory_space<vmem>>
      %dma_start3A_655 = arith.constant 0 : i32
      %dma_start3A_656 = arith.constant 0 : i32
      %dma_start3A_657 = tpu.memref_slice %arg13[%dma_start3A_655, %dma_start3A_656] : memref<1152x32xf32, #tpu.memory_space<vmem_shared>> -> memref<1152x32xf32, #tpu.memory_space<vmem_shared>>
      tpu.enqueue_indirect_dma source(%dma_start3A_651 : memref<128x32xf32, #tpu.memory_space<vmem>>) target(%dma_start3A_657 : memref<1152x32xf32, #tpu.memory_space<vmem_shared>>) offsets(%dma_start3A_654 : memref<128xi32, #tpu.memory_space<vmem>>) semaphore(%run_scoped3A_648 : memref<!tpu.dma_semaphore, #tpu.memory_space<semaphore_mem>>) {add = true}
      %dma_wait3A_658 = arith.constant 384 : i32
      %dma_wait3A_659 = arith.constant 0 : i32
      %dma_wait3A_660 = tpu.memref_slice %arg7[%dma_wait3A_658, %dma_wait3A_659] : memref<512x32xf32, #tpu.memory_space<vmem>> -> memref<128x32xf32, #tpu.memory_space<vmem>>
      %dma_wait3A_661 = arith.constant 0 : i32
      %dma_wait3A_662 = tpu.memref_slice %arg12[%run_scoped3A_637, %dma_wait3A_661] : memref<4x128xi32, #tpu.memory_space<vmem>> -> memref<1x128xi32, #tpu.memory_space<vmem>>
      %dma_wait3A_663 = tpu.memref_squeeze %dma_wait3A_662 : memref<1x128xi32, #tpu.memory_space<vmem>> -> memref<128xi32, #tpu.memory_space<vmem>>
      %dma_wait3A_664 = arith.constant 0 : i32
      %dma_wait3A_665 = arith.constant 0 : i32
      %dma_wait3A_666 = tpu.memref_slice %arg13[%dma_wait3A_664, %dma_wait3A_665] : memref<1152x32xf32, #tpu.memory_space<vmem_shared>> -> memref<1152x32xf32, #tpu.memory_space<vmem_shared>>
      tpu.wait_indirect_dma semaphore(%run_scoped3A_648 : memref<!tpu.dma_semaphore, #tpu.memory_space<semaphore_mem>>) src(%dma_wait3A_660 : memref<128x32xf32, #tpu.memory_space<vmem>>) dst(%dma_wait3A_666 : memref<1152x32xf32, #tpu.memory_space<vmem_shared>>)
      tpu.yield
    }) : () -> ()
    %run_scoped3A_638 = arith.constant 3 : i32
    "tpu.region"() ({
      %run_scoped3A_648 = tpu.sem_alloc : memref<!tpu.dma_semaphore, #tpu.memory_space<semaphore_mem>>
      %dma_start3A_649 = arith.constant 0 : i32
      %dma_start3A_650 = tpu.memref_slice %arg12[%run_scoped3A_638, %dma_start3A_649] : memref<4x128xi32, #tpu.memory_space<vmem>> -> memref<1x128xi32, #tpu.memory_space<vmem>>
      %dma_start3A_651 = tpu.memref_squeeze %dma_start3A_650 : memref<1x128xi32, #tpu.memory_space<vmem>> -> memref<128xi32, #tpu.memory_space<vmem>>
      %dma_start3A_652 = arith.constant 0 : i32
      %dma_start3A_653 = arith.constant 0 : i32
      %dma_start3A_654 = tpu.memref_slice %arg14[%dma_start3A_652, %dma_start3A_653] : memref<1152x16xf32, #tpu.memory_space<vmem_shared>> -> memref<1152x16xf32, #tpu.memory_space<vmem_shared>>
      tpu.enqueue_indirect_dma source(%arg8 : memref<128x16xf32, #tpu.memory_space<vmem>>) target(%dma_start3A_654 : memref<1152x16xf32, #tpu.memory_space<vmem_shared>>) offsets(%dma_start3A_651 : memref<128xi32, #tpu.memory_space<vmem>>) semaphore(%run_scoped3A_648 : memref<!tpu.dma_semaphore, #tpu.memory_space<semaphore_mem>>) {add = true}
      %dma_wait3A_655 = arith.constant 0 : i32
      %dma_wait3A_656 = tpu.memref_slice %arg12[%run_scoped3A_638, %dma_wait3A_655] : memref<4x128xi32, #tpu.memory_space<vmem>> -> memref<1x128xi32, #tpu.memory_space<vmem>>
      %dma_wait3A_657 = tpu.memref_squeeze %dma_wait3A_656 : memref<1x128xi32, #tpu.memory_space<vmem>> -> memref<128xi32, #tpu.memory_space<vmem>>
      %dma_wait3A_658 = arith.constant 0 : i32
      %dma_wait3A_659 = arith.constant 0 : i32
      %dma_wait3A_660 = tpu.memref_slice %arg14[%dma_wait3A_658, %dma_wait3A_659] : memref<1152x16xf32, #tpu.memory_space<vmem_shared>> -> memref<1152x16xf32, #tpu.memory_space<vmem_shared>>
      tpu.wait_indirect_dma semaphore(%run_scoped3A_648 : memref<!tpu.dma_semaphore, #tpu.memory_space<semaphore_mem>>) src(%arg8 : memref<128x16xf32, #tpu.memory_space<vmem>>) dst(%dma_wait3A_660 : memref<1152x16xf32, #tpu.memory_space<vmem_shared>>)
      tpu.yield
    }) : () -> ()
    %barrier3A_639 = arith.constant 0 : index
    tpu.barrier barrier_id(%barrier3A_639)
    %mul3A_640 = arith.constant 72 : i32
    %mul3A_641 = arith.muli %arg1, %mul3A_640 : i32
    %mul3A_642 = arith.constant 72 : i32
    %mul3A_643 = arith.muli %arg1, %mul3A_642 : i32
    "tpu.region"() ({
      %run_scoped3A_648 = tpu.sem_alloc : memref<!tpu.dma_semaphore, #tpu.memory_space<semaphore_mem>>
      %dma_start3A_649 = arith.constant 0 : i32
      %dma_start3A_650 = tpu.memref_slice %arg5[%arg0, %mul3A_643, %dma_start3A_649] : memref<2x1152x32xf32, #tpu.memory_space<hbm>> -> memref<1x72x32xf32, #tpu.memory_space<hbm>>
      %dma_start3A_651 = tpu.memref_squeeze %dma_start3A_650 : memref<1x72x32xf32, #tpu.memory_space<hbm>> -> memref<72x32xf32, #tpu.memory_space<hbm>>
      %dma_start3A_652 = arith.constant 0 : i32
      %dma_start3A_653 = tpu.memref_slice %arg13[%mul3A_641, %dma_start3A_652] : memref<1152x32xf32, #tpu.memory_space<vmem_shared>> -> memref<72x32xf32, #tpu.memory_space<vmem_shared>>
      tpu.enqueue_dma source(%dma_start3A_653 : memref<72x32xf32, #tpu.memory_space<vmem_shared>>) target(%dma_start3A_651 : memref<72x32xf32, #tpu.memory_space<hbm>>) target_semaphore(%run_scoped3A_648 : memref<!tpu.dma_semaphore, #tpu.memory_space<semaphore_mem>>)
      %dma_wait3A_654 = arith.constant 0 : i32
      %dma_wait3A_655 = tpu.memref_slice %arg5[%arg0, %mul3A_643, %dma_wait3A_654] : memref<2x1152x32xf32, #tpu.memory_space<hbm>> -> memref<1x72x32xf32, #tpu.memory_space<hbm>>
      %dma_wait3A_656 = tpu.memref_squeeze %dma_wait3A_655 : memref<1x72x32xf32, #tpu.memory_space<hbm>> -> memref<72x32xf32, #tpu.memory_space<hbm>>
      %dma_wait3A_657 = arith.constant 0 : i32
      %dma_wait3A_658 = tpu.memref_slice %arg13[%mul3A_641, %dma_wait3A_657] : memref<1152x32xf32, #tpu.memory_space<vmem_shared>> -> memref<72x32xf32, #tpu.memory_space<vmem_shared>>
      tpu.wait_dma2 semaphore(%run_scoped3A_648 : memref<!tpu.dma_semaphore, #tpu.memory_space<semaphore_mem>>) src(%dma_wait3A_658 : memref<72x32xf32, #tpu.memory_space<vmem_shared>>) dst(%dma_wait3A_656 : memref<72x32xf32, #tpu.memory_space<hbm>>)
      tpu.yield
    }) : () -> ()
    %mul3A_644 = arith.constant 72 : i32
    %mul3A_645 = arith.muli %arg1, %mul3A_644 : i32
    %mul3A_646 = arith.constant 72 : i32
    %mul3A_647 = arith.muli %arg1, %mul3A_646 : i32
    "tpu.region"() ({
      %run_scoped3A_648 = tpu.sem_alloc : memref<!tpu.dma_semaphore, #tpu.memory_space<semaphore_mem>>
      %dma_start3A_649 = arith.constant 0 : i32
      %dma_start3A_650 = tpu.memref_slice %arg6[%arg0, %mul3A_647, %dma_start3A_649] : memref<2x1152x16xf32, #tpu.memory_space<hbm>> -> memref<1x72x16xf32, #tpu.memory_space<hbm>>
      %dma_start3A_651 = tpu.memref_squeeze %dma_start3A_650 : memref<1x72x16xf32, #tpu.memory_space<hbm>> -> memref<72x16xf32, #tpu.memory_space<hbm>>
      %dma_start3A_652 = arith.constant 0 : i32
      %dma_start3A_653 = tpu.memref_slice %arg14[%mul3A_645, %dma_start3A_652] : memref<1152x16xf32, #tpu.memory_space<vmem_shared>> -> memref<72x16xf32, #tpu.memory_space<vmem_shared>>
      tpu.enqueue_dma source(%dma_start3A_653 : memref<72x16xf32, #tpu.memory_space<vmem_shared>>) target(%dma_start3A_651 : memref<72x16xf32, #tpu.memory_space<hbm>>) target_semaphore(%run_scoped3A_648 : memref<!tpu.dma_semaphore, #tpu.memory_space<semaphore_mem>>)
      %dma_wait3A_654 = arith.constant 0 : i32
      %dma_wait3A_655 = tpu.memref_slice %arg6[%arg0, %mul3A_647, %dma_wait3A_654] : memref<2x1152x16xf32, #tpu.memory_space<hbm>> -> memref<1x72x16xf32, #tpu.memory_space<hbm>>
      %dma_wait3A_656 = tpu.memref_squeeze %dma_wait3A_655 : memref<1x72x16xf32, #tpu.memory_space<hbm>> -> memref<72x16xf32, #tpu.memory_space<hbm>>
      %dma_wait3A_657 = arith.constant 0 : i32
      %dma_wait3A_658 = tpu.memref_slice %arg14[%mul3A_645, %dma_wait3A_657] : memref<1152x16xf32, #tpu.memory_space<vmem_shared>> -> memref<72x16xf32, #tpu.memory_space<vmem_shared>>
      tpu.wait_dma2 semaphore(%run_scoped3A_648 : memref<!tpu.dma_semaphore, #tpu.memory_space<semaphore_mem>>) src(%dma_wait3A_658 : memref<72x16xf32, #tpu.memory_space<vmem_shared>>) dst(%dma_wait3A_656 : memref<72x16xf32, #tpu.memory_space<hbm>>)
      tpu.yield
    }) : () -> ()
    return
  }
}

module attributes {stable_mosaic.version = 14 : i64} {
  func.func @_pmat_kernel(%arg0: i32, %arg1: memref<1x32x4096xf32, #tpu.memory_space<vmem>>, %arg2: memref<1x1x4096xi32, #tpu.memory_space<vmem>>, %arg3: memref<1x1x4096xi32, #tpu.memory_space<vmem>>, %arg4: memref<1x576x32xf32, #tpu.memory_space<vmem>>) attributes {dimension_semantics = [#tpu.dimension_semantics<arbitrary>], iteration_bounds = array<i64: 4>, scalar_prefetch = 0 : i64, scratch_operands = 0 : i64, tpu.core_type = #tpu.core_type<tc>, window_params = [{transform_indices = @transform_0, window_bounds = array<i64: 1, 32, 4096>}, {transform_indices = @transform_1, window_bounds = array<i64: 1, 1, 4096>}, {transform_indices = @transform_2, window_bounds = array<i64: 1, 1, 4096>}, {transform_indices = @transform_3, window_bounds = array<i64: 1, 576, 32>}]} {
    %get3A = arith.constant 0 : index
    %get3A_0 = arith.constant 0 : index
    %get3A_1 = arith.constant 0 : index
    %get3A_2 = vector.load %arg1[%get3A, %get3A_0, %get3A_1] : memref<1x32x4096xf32, #tpu.memory_space<vmem>>, vector<1x32x4096xf32>
    %get3A_3 = vector.shape_cast %get3A_2 : vector<1x32x4096xf32> to vector<32x4096xf32>
    %get3A_4 = arith.constant 0 : index
    %get3A_5 = arith.constant 0 : index
    %get3A_6 = arith.constant 0 : index
    %get3A_7 = vector.load %arg2[%get3A_4, %get3A_5, %get3A_6] : memref<1x1x4096xi32, #tpu.memory_space<vmem>>, vector<1x1x4096xi32>
    %get3A_8 = vector.shape_cast %get3A_7 : vector<1x1x4096xi32> to vector<1x4096xi32>
    %get3A_9 = arith.constant 0 : index
    %get3A_10 = arith.constant 0 : index
    %get3A_11 = arith.constant 0 : index
    %get3A_12 = vector.load %arg3[%get3A_9, %get3A_10, %get3A_11] : memref<1x1x4096xi32, #tpu.memory_space<vmem>>, vector<1x1x4096xi32>
    %get3A_13 = vector.shape_cast %get3A_12 : vector<1x1x4096xi32> to vector<1x4096xi32>
    %mul3A = arith.mulf %get3A_3, %get3A_3 : vector<32x4096xf32>
    %reduce_sum3A = arith.constant dense<0.000000e+00> : vector<4096xf32>
    %reduce_sum3A_14 = vector.multi_reduction <add>, %mul3A, %reduce_sum3A [0] : vector<32x4096xf32> to vector<4096xf32>
    %broadcast_in_dim3A = vector.shape_cast %reduce_sum3A_14 : vector<4096xf32> to vector<1x4096xf32>
    %max3A = arith.constant 1.000000e-30 : f32
    %max3A_15 = vector.broadcast %max3A : f32 to vector<1x4096xf32>
    %max3A_16 = arith.maximumf %broadcast_in_dim3A, %max3A_15 : vector<1x4096xf32>
    %rsqrt3A = math.rsqrt %max3A_16 : vector<1x4096xf32>
    %mul3A_17 = vector.broadcast %rsqrt3A : vector<1x4096xf32> to vector<32x4096xf32>
    %mul3A_18 = arith.mulf %get3A_3, %mul3A_17 : vector<32x4096xf32>
    %mul3A_19 = arith.constant 64 : i32
    %mul3A_20 = vector.broadcast %mul3A_19 : i32 to vector<1x4096xi32>
    %mul3A_21 = arith.muli %get3A_13, %mul3A_20 : vector<1x4096xi32>
    %add3A = arith.addi %mul3A_21, %get3A_8 : vector<1x4096xi32>
    %iota3A = tpu.iota {dimensions = array<i32: 0>} : vector<576x1xi32>
    %eq3A = vector.broadcast %add3A : vector<1x4096xi32> to vector<576x4096xi32>
    %eq3A_22 = vector.broadcast %iota3A : vector<576x1xi32> to vector<576x4096xi32>
    %eq3A_23 = arith.cmpi eq, %eq3A, %eq3A_22 : vector<576x4096xi32>
    %convert_element_type3A = arith.extui %eq3A_23 : vector<576x4096xi1> to vector<576x4096xi32>
    %convert_element_type3A_24 = arith.sitofp %convert_element_type3A : vector<576x4096xi32> to vector<576x4096xf32>
    %dot_general3A = arith.constant dense<0.000000e+00> : vector<576x32xf32>
    %dot_general3A_25 = tpu.matmul %convert_element_type3A_24, %mul3A_18, %dot_general3A {dimension_numbers = #tpu.dot_dimension_numbers<[1], [1], [0], [0], [0, 0, 1, 0], [], []>, transpose_lhs_hint = false} : vector<576x4096xf32>, vector<32x4096xf32>, vector<576x32xf32> -> vector<576x32xf32>
    %swap3A = arith.constant 0 : index
    %swap3A_26 = arith.constant 0 : index
    %swap3A_27 = arith.constant 0 : index
    %swap3A_28 = vector.load %arg4[%swap3A, %swap3A_26, %swap3A_27] : memref<1x576x32xf32, #tpu.memory_space<vmem>>, vector<1x576x32xf32>
    %swap3A_29 = vector.shape_cast %swap3A_28 : vector<1x576x32xf32> to vector<576x32xf32>
    %swap3A_30 = vector.shape_cast %dot_general3A_25 : vector<576x32xf32> to vector<1x576x32xf32>
    tpu.vector_store %arg4[%swap3A, %swap3A_26, %swap3A_27], %swap3A_30 {strides = array<i32>} : memref<1x576x32xf32, #tpu.memory_space<vmem>>, vector<1x576x32xf32>,
    return
  }
  func.func @transform_0(%arg0: i32) -> (i32, i32, i32) {
    %c0_i32 = arith.constant 0 : i32
    %c0_i32_0 = arith.constant 0 : i32
    %c0_i32_1 = arith.constant 0 : i32
    return %arg0, %c0_i32, %c0_i32_0 : i32, i32, i32
  }
  func.func @transform_1(%arg0: i32) -> (i32, i32, i32) {
    %c0_i32 = arith.constant 0 : i32
    %c0_i32_0 = arith.constant 0 : i32
    %c0_i32_1 = arith.constant 0 : i32
    return %arg0, %c0_i32, %c0_i32_0 : i32, i32, i32
  }
  func.func @transform_2(%arg0: i32) -> (i32, i32, i32) {
    %c0_i32 = arith.constant 0 : i32
    %c0_i32_0 = arith.constant 0 : i32
    %c0_i32_1 = arith.constant 0 : i32
    return %arg0, %c0_i32, %c0_i32_0 : i32, i32, i32
  }
  func.func @transform_3(%arg0: i32) -> (i32, i32, i32) {
    %c0_i32 = arith.constant 0 : i32
    %c0_i32_0 = arith.constant 0 : i32
    %c0_i32_1 = arith.constant 0 : i32
    return %arg0, %c0_i32, %c0_i32_0 : i32, i32, i32
  }
}

module attributes {stable_mosaic.version = 14 : i64} {
  func.func @_finish_kernel(%arg0: memref<2304x32xf32, #tpu.memory_space<vmem>>, %arg1: memref<2304x16xf32, #tpu.memory_space<vmem>>, %arg2: memref<2304x32xf32, #tpu.memory_space<vmem>>, %arg3: memref<1x1xf32, #tpu.memory_space<vmem>>) attributes {dimension_semantics = [], scalar_prefetch = 0 : i64, scratch_operands = 0 : i64, tpu.core_type = #tpu.core_type<tc>} {
    %get3A = arith.constant 0 : index
    %get3A_0 = arith.constant 0 : index
    %get3A_1 = vector.load %arg0[%get3A, %get3A_0] : memref<2304x32xf32, #tpu.memory_space<vmem>>, vector<2304x32xf32>
    %get3A_2 = arith.constant 0 : index
    %get3A_3 = arith.constant 0 : index
    %get3A_4 = vector.load %arg2[%get3A_2, %get3A_3] : memref<2304x32xf32, #tpu.memory_space<vmem>>, vector<2304x32xf32>
    %get3A_5 = arith.constant 0 : index
    %get3A_6 = arith.constant 0 : index
    %get3A_7 = vector.load %arg1[%get3A_5, %get3A_6] : memref<2304x16xf32, #tpu.memory_space<vmem>>, vector<2304x1xf32>
    %gt3A = arith.constant 0.000000e+00 : f32
    %gt3A_8 = vector.broadcast %gt3A : f32 to vector<2304x1xf32>
    %gt3A_9 = arith.cmpf ogt, %get3A_7, %gt3A_8 : vector<2304x1xf32>
    %convert_element_type3A = arith.extui %gt3A_9 : vector<2304x1xi1> to vector<2304x1xi32>
    %convert_element_type3A_10 = arith.sitofp %convert_element_type3A : vector<2304x1xi32> to vector<2304x1xf32>
    %jit3A = arith.constant 1.000000e+00 : f32
    %broadcast_in_dim3A = vector.broadcast %jit3A : f32 to vector<2304x1xf32>
    %select_n3A = arith.select %gt3A_9, %get3A_7, %broadcast_in_dim3A : vector<2304x1xi1>, vector<2304x1xf32>
    %mul3A = arith.mulf %get3A_1, %get3A_1 : vector<2304x32xf32>
    %reduce_sum3A = arith.constant dense<0.000000e+00> : vector<2304xf32>
    %reduce_sum3A_11 = vector.multi_reduction <add>, %mul3A, %reduce_sum3A [1] : vector<2304x32xf32> to vector<2304xf32>
    %broadcast_in_dim3A_12 = vector.shape_cast %reduce_sum3A_11 : vector<2304xf32> to vector<2304x1xf32>
    %max3A = arith.constant 1.000000e-30 : f32
    %max3A_13 = vector.broadcast %max3A : f32 to vector<2304x1xf32>
    %max3A_14 = arith.maximumf %broadcast_in_dim3A_12, %max3A_13 : vector<2304x1xf32>
    %rsqrt3A = math.rsqrt %max3A_14 : vector<2304x1xf32>
    %mul3A_15 = vector.broadcast %rsqrt3A : vector<2304x1xf32> to vector<2304x32xf32>
    %mul3A_16 = arith.mulf %get3A_1, %mul3A_15 : vector<2304x32xf32>
    %mul3A_17 = arith.mulf %mul3A_16, %get3A_4 : vector<2304x32xf32>
    %reduce_sum3A_18 = arith.constant dense<0.000000e+00> : vector<2304xf32>
    %reduce_sum3A_19 = vector.multi_reduction <add>, %mul3A_17, %reduce_sum3A_18 [1] : vector<2304x32xf32> to vector<2304xf32>
    %broadcast_in_dim3A_20 = vector.shape_cast %reduce_sum3A_19 : vector<2304xf32> to vector<2304x1xf32>
    %div3A = arith.divf %broadcast_in_dim3A_20, %select_n3A : vector<2304x1xf32>
    %sub3A = arith.constant 1.000000e+00 : f32
    %sub3A_21 = vector.broadcast %sub3A : f32 to vector<2304x1xf32>
    %sub3A_22 = arith.subf %sub3A_21, %div3A : vector<2304x1xf32>
    %iota3A = tpu.iota {dimensions = array<i32: 1>} : vector<36x2304xi32>
    %jit3A_23 = arith.constant 64 : i32
    %div3A_24 = vector.broadcast %jit3A_23 : i32 to vector<36x2304xi32>
    %div3A_25 = arith.divsi %iota3A, %div3A_24 : vector<36x2304xi32>
    %sign3A = arith.constant 0 : i32
    %sign3A_26 = vector.broadcast %sign3A : i32 to vector<36x2304xi32>
    %sign3A_27 = arith.cmpi sgt, %iota3A, %sign3A_26 : vector<36x2304xi32>
    %sign3A_28 = arith.extui %sign3A_27 : vector<36x2304xi1> to vector<36x2304xi32>
    %sign3A_29 = arith.constant 0 : i32
    %sign3A_30 = vector.broadcast %sign3A_29 : i32 to vector<36x2304xi32>
    %sign3A_31 = arith.cmpi slt, %iota3A, %sign3A_30 : vector<36x2304xi32>
    %sign3A_32 = arith.extui %sign3A_31 : vector<36x2304xi1> to vector<36x2304xi32>
    %sign3A_33 = arith.subi %sign3A_28, %sign3A_32 : vector<36x2304xi32>
    %sign3A_34 = arith.constant 0 : i32
    %sign3A_35 = arith.cmpi sgt, %jit3A_23, %sign3A_34 : i32
    %sign3A_36 = arith.extui %sign3A_35 : i1 to i32
    %sign3A_37 = arith.constant 0 : i32
    %sign3A_38 = arith.cmpi slt, %jit3A_23, %sign3A_37 : i32
    %sign3A_39 = arith.extui %sign3A_38 : i1 to i32
    %sign3A_40 = arith.subi %sign3A_36, %sign3A_39 : i32
    %ne3A = vector.broadcast %sign3A_40 : i32 to vector<36x2304xi32>
    %ne3A_41 = arith.cmpi ne, %sign3A_33, %ne3A : vector<36x2304xi32>
    %rem3A = vector.broadcast %jit3A_23 : i32 to vector<36x2304xi32>
    %rem3A_42 = arith.remsi %iota3A, %rem3A : vector<36x2304xi32>
    %ne3A_43 = arith.constant 0 : i32
    %ne3A_44 = vector.broadcast %ne3A_43 : i32 to vector<36x2304xi32>
    %ne3A_45 = arith.cmpi ne, %rem3A_42, %ne3A_44 : vector<36x2304xi32>
    %and3A = arith.andi %ne3A_41, %ne3A_45 : vector<36x2304xi1>
    %sub3A_46 = arith.constant 1 : i32
    %sub3A_47 = vector.broadcast %sub3A_46 : i32 to vector<36x2304xi32>
    %sub3A_48 = arith.subi %div3A_25, %sub3A_47 : vector<36x2304xi32>
    %select_n3A_49 = arith.select %and3A, %sub3A_48, %div3A_25 : vector<36x2304xi1>, vector<36x2304xi32>
    %iota3A_50 = tpu.iota {dimensions = array<i32: 0>} : vector<36x2304xi32>
    %eq3A = arith.cmpi eq, %select_n3A_49, %iota3A_50 : vector<36x2304xi32>
    %convert_element_type3A_51 = arith.extui %eq3A : vector<36x2304xi1> to vector<36x2304xi32>
    %convert_element_type3A_52 = arith.sitofp %convert_element_type3A_51 : vector<36x2304xi32> to vector<36x2304xf32>
    %dot_general3A = arith.constant dense<0.000000e+00> : vector<36x1xf32>
    %dot_general3A_53 = tpu.matmul %convert_element_type3A_52, %convert_element_type3A_10, %dot_general3A {dimension_numbers = #tpu.dot_dimension_numbers<[1], [0], [0], [1], [0, 0, 1, 1], [], []>, transpose_lhs_hint = false} : vector<36x2304xf32>, vector<2304x1xf32>, vector<36x1xf32> -> vector<36x1xf32>
    %mul3A_54 = arith.mulf %convert_element_type3A_10, %sub3A_22 : vector<2304x1xf32>
    %dot_general3A_55 = arith.constant dense<0.000000e+00> : vector<36x1xf32>
    %dot_general3A_56 = tpu.matmul %convert_element_type3A_52, %mul3A_54, %dot_general3A_55 {dimension_numbers = #tpu.dot_dimension_numbers<[1], [0], [0], [1], [0, 0, 1, 1], [], []>, transpose_lhs_hint = false} : vector<36x2304xf32>, vector<2304x1xf32>, vector<36x1xf32> -> vector<36x1xf32>
    %mul3A_57 = vector.broadcast %convert_element_type3A_10 : vector<2304x1xf32> to vector<2304x32xf32>
    %mul3A_58 = arith.mulf %mul3A_57, %mul3A_16 : vector<2304x32xf32>
    %dot_general3A_59 = arith.constant dense<0.000000e+00> : vector<36x32xf32>
    %dot_general3A_60 = tpu.matmul %convert_element_type3A_52, %mul3A_58, %dot_general3A_59 {dimension_numbers = #tpu.dot_dimension_numbers<[1], [0], [0], [1], [0, 0, 1, 1], [], []>, transpose_lhs_hint = false} : vector<36x2304xf32>, vector<2304x32xf32>, vector<36x32xf32> -> vector<36x32xf32>
    %dot_general3A_61 = arith.constant dense<0.000000e+00> : vector<36x1xf32>
    %dot_general3A_62 = tpu.matmul %convert_element_type3A_52, %get3A_7, %dot_general3A_61 {dimension_numbers = #tpu.dot_dimension_numbers<[1], [0], [0], [1], [0, 0, 1, 1], [], []>, transpose_lhs_hint = false} : vector<36x2304xf32>, vector<2304x1xf32>, vector<36x1xf32> -> vector<36x1xf32>
    %mul3A_63 = arith.mulf %dot_general3A_60, %dot_general3A_60 : vector<36x32xf32>
    %reduce_sum3A_64 = arith.constant dense<0.000000e+00> : vector<36xf32>
    %reduce_sum3A_65 = vector.multi_reduction <add>, %mul3A_63, %reduce_sum3A_64 [1] : vector<36x32xf32> to vector<36xf32>
    %broadcast_in_dim3A_66 = vector.shape_cast %reduce_sum3A_65 : vector<36xf32> to vector<36x1xf32>
    %mul3A_67 = arith.mulf %dot_general3A_53, %dot_general3A_53 : vector<36x1xf32>
    %add3A = arith.addf %mul3A_67, %broadcast_in_dim3A_66 : vector<36x1xf32>
    %mul3A_68 = arith.constant 2.000000e+00 : f32
    %mul3A_69 = vector.broadcast %mul3A_68 : f32 to vector<36x1xf32>
    %mul3A_70 = arith.mulf %mul3A_69, %dot_general3A_53 : vector<36x1xf32>
    %sub3A_71 = arith.subf %add3A, %mul3A_70 : vector<36x1xf32>
    %sub3A_72 = arith.constant 1.000000e+00 : f32
    %sub3A_73 = vector.broadcast %sub3A_72 : f32 to vector<36x1xf32>
    %sub3A_74 = arith.subf %dot_general3A_53, %sub3A_73 : vector<36x1xf32>
    %mul3A_75 = arith.mulf %sub3A_74, %dot_general3A_53 : vector<36x1xf32>
    %add3A_76 = arith.constant 9.99999997E-7 : f32
    %add3A_77 = vector.broadcast %add3A_76 : f32 to vector<36x1xf32>
    %add3A_78 = arith.addf %mul3A_75, %add3A_77 : vector<36x1xf32>
    %mul3A_79 = arith.constant 2.000000e+00 : f32
    %mul3A_80 = vector.broadcast %mul3A_79 : f32 to vector<36x1xf32>
    %mul3A_81 = arith.mulf %add3A_78, %mul3A_80 : vector<36x1xf32>
    %div3A_82 = arith.divf %sub3A_71, %mul3A_81 : vector<36x1xf32>
    %add3A_83 = arith.constant 9.99999997E-7 : f32
    %add3A_84 = vector.broadcast %add3A_83 : f32 to vector<36x1xf32>
    %add3A_85 = arith.addf %dot_general3A_53, %add3A_84 : vector<36x1xf32>
    %div3A_86 = arith.divf %dot_general3A_56, %add3A_85 : vector<36x1xf32>
    %le3A = arith.constant 1.000000e+00 : f32
    %le3A_87 = vector.broadcast %le3A : f32 to vector<36x1xf32>
    %le3A_88 = arith.cmpf ole, %dot_general3A_53, %le3A_87 : vector<36x1xf32>
    %add3A_89 = arith.addf %div3A_86, %div3A_82 : vector<36x1xf32>
    %jit3A_90 = arith.constant 0.000000e+00 : f32
    %broadcast_in_dim3A_91 = vector.broadcast %jit3A_90 : f32 to vector<36x1xf32>
    %select_n3A_92 = arith.select %le3A_88, %broadcast_in_dim3A_91, %add3A_89 : vector<36x1xi1>, vector<36x1xf32>
    %gt3A_93 = arith.constant 0.000000e+00 : f32
    %gt3A_94 = vector.broadcast %gt3A_93 : f32 to vector<36x1xf32>
    %gt3A_95 = arith.cmpf ogt, %dot_general3A_62, %gt3A_94 : vector<36x1xf32>
    %jit3A_96 = arith.constant 0.000000e+00 : f32
    %broadcast_in_dim3A_97 = vector.broadcast %jit3A_96 : f32 to vector<36x1xf32>
    %select_n3A_98 = arith.select %gt3A_95, %select_n3A_92, %broadcast_in_dim3A_97 : vector<36x1xi1>, vector<36x1xf32>
    %iota3A_99 = tpu.iota {dimensions = array<i32: 1>} : vector<4x36xi32>
    %jit3A_100 = arith.constant 9 : i32
    %div3A_101 = vector.broadcast %jit3A_100 : i32 to vector<4x36xi32>
    %div3A_102 = arith.divsi %iota3A_99, %div3A_101 : vector<4x36xi32>
    %sign3A_103 = arith.constant 0 : i32
    %sign3A_104 = vector.broadcast %sign3A_103 : i32 to vector<4x36xi32>
    %sign3A_105 = arith.cmpi sgt, %iota3A_99, %sign3A_104 : vector<4x36xi32>
    %sign3A_106 = arith.extui %sign3A_105 : vector<4x36xi1> to vector<4x36xi32>
    %sign3A_107 = arith.constant 0 : i32
    %sign3A_108 = vector.broadcast %sign3A_107 : i32 to vector<4x36xi32>
    %sign3A_109 = arith.cmpi slt, %iota3A_99, %sign3A_108 : vector<4x36xi32>
    %sign3A_110 = arith.extui %sign3A_109 : vector<4x36xi1> to vector<4x36xi32>
    %sign3A_111 = arith.subi %sign3A_106, %sign3A_110 : vector<4x36xi32>
    %sign3A_112 = arith.constant 0 : i32
    %sign3A_113 = arith.cmpi sgt, %jit3A_100, %sign3A_112 : i32
    %sign3A_114 = arith.extui %sign3A_113 : i1 to i32
    %sign3A_115 = arith.constant 0 : i32
    %sign3A_116 = arith.cmpi slt, %jit3A_100, %sign3A_115 : i32
    %sign3A_117 = arith.extui %sign3A_116 : i1 to i32
    %sign3A_118 = arith.subi %sign3A_114, %sign3A_117 : i32
    %ne3A_119 = vector.broadcast %sign3A_118 : i32 to vector<4x36xi32>
    %ne3A_120 = arith.cmpi ne, %sign3A_111, %ne3A_119 : vector<4x36xi32>
    %rem3A_121 = vector.broadcast %jit3A_100 : i32 to vector<4x36xi32>
    %rem3A_122 = arith.remsi %iota3A_99, %rem3A_121 : vector<4x36xi32>
    %ne3A_123 = arith.constant 0 : i32
    %ne3A_124 = vector.broadcast %ne3A_123 : i32 to vector<4x36xi32>
    %ne3A_125 = arith.cmpi ne, %rem3A_122, %ne3A_124 : vector<4x36xi32>
    %and3A_126 = arith.andi %ne3A_120, %ne3A_125 : vector<4x36xi1>
    %sub3A_127 = arith.constant 1 : i32
    %sub3A_128 = vector.broadcast %sub3A_127 : i32 to vector<4x36xi32>
    %sub3A_129 = arith.subi %div3A_102, %sub3A_128 : vector<4x36xi32>
    %select_n3A_130 = arith.select %and3A_126, %sub3A_129, %div3A_102 : vector<4x36xi1>, vector<4x36xi32>
    %iota3A_131 = tpu.iota {dimensions = array<i32: 0>} : vector<4x36xi32>
    %eq3A_132 = arith.cmpi eq, %select_n3A_130, %iota3A_131 : vector<4x36xi32>
    %convert_element_type3A_133 = arith.extui %eq3A_132 : vector<4x36xi1> to vector<4x36xi32>
    %convert_element_type3A_134 = arith.sitofp %convert_element_type3A_133 : vector<4x36xi32> to vector<4x36xf32>
    %gt3A_135 = arith.constant 0.000000e+00 : f32
    %gt3A_136 = vector.broadcast %gt3A_135 : f32 to vector<36x1xf32>
    %gt3A_137 = arith.cmpf ogt, %dot_general3A_62, %gt3A_136 : vector<36x1xf32>
    %convert_element_type3A_138 = arith.extui %gt3A_137 : vector<36x1xi1> to vector<36x1xi32>
    %convert_element_type3A_139 = arith.sitofp %convert_element_type3A_138 : vector<36x1xi32> to vector<36x1xf32>
    %dot_general3A_140 = arith.constant dense<0.000000e+00> : vector<4x1xf32>
    %dot_general3A_141 = tpu.matmul %convert_element_type3A_134, %convert_element_type3A_139, %dot_general3A_140 {dimension_numbers = #tpu.dot_dimension_numbers<[1], [0], [0], [1], [0, 0, 1, 1], [], []>, transpose_lhs_hint = false} : vector<4x36xf32>, vector<36x1xf32>, vector<4x1xf32> -> vector<4x1xf32>
    %dot_general3A_142 = arith.constant dense<0.000000e+00> : vector<4x1xf32>
    %dot_general3A_143 = tpu.matmul %convert_element_type3A_134, %select_n3A_98, %dot_general3A_142 {dimension_numbers = #tpu.dot_dimension_numbers<[1], [0], [0], [1], [0, 0, 1, 1], [], []>, transpose_lhs_hint = false} : vector<4x36xf32>, vector<36x1xf32>, vector<4x1xf32> -> vector<4x1xf32>
    %div3A_144 = arith.divf %dot_general3A_143, %dot_general3A_141 : vector<4x1xf32>
    %reduce_sum3A_145 = vector.shape_cast %div3A_144 : vector<4x1xf32> to vector<1x4x1xf32>
    %reduce_sum3A_146 = arith.constant dense<0.000000e+00> : vector<1xf32>
    %reduce_sum3A_147 = vector.multi_reduction <add>, %reduce_sum3A_145, %reduce_sum3A_146 [1, 2] : vector<1x4x1xf32> to vector<1xf32>
    %reduce_sum3A_148 = vector.shape_cast %reduce_sum3A_147 : vector<1xf32> to vector<1x1x1xf32>
    %reduce_sum3A_149 = vector.extract %reduce_sum3A_148[0, 0, 0] : f32 from vector<1x1x1xf32>
    %div3A_150 = arith.constant 4.000000e+00 : f32
    %div3A_151 = arith.divf %reduce_sum3A_149, %div3A_150 : f32
    %broadcast_in_dim3A_152 = vector.broadcast %div3A_151 : f32 to vector<1x1xf32>
    %swap3A = arith.constant 0 : index
    %swap3A_153 = arith.constant 0 : index
    %swap3A_154 = vector.load %arg3[%swap3A, %swap3A_153] : memref<1x1xf32, #tpu.memory_space<vmem>>, vector<1x1xf32>
    tpu.vector_store %arg3[%swap3A, %swap3A_153], %broadcast_in_dim3A_152 {strides = array<i32>} : memref<1x1xf32, #tpu.memory_space<vmem>>, vector<1x1xf32>,
    return
  }
}

</mosaic_0001>

<sc_bundles>
// kernel: kernel.5.cloned.1.call-start
scs
__scs_entry_jumppad:
0x0: {  	(pc) =	sbr.rel $0x88, $3  }
0x1: {  	(tag) =	ssettag $0x0;
	lr =	simm.s32 $0x1  }
0x2: {  	[smem:$0x3F9E] =	sst lr;
	_ =	strace $0xD0000000  }
0x3: {  	_ = 	snop  }
0x4: {  	_ = 	snop  }
0x5: {  	_ = 	snop  }
0x6: {  	_ = 	snop  }
0x7: {  	_ = 	snop  }
__scs_overlays_trampoline_lowered:
0x8: {  	[smem:$0x3FAD] =	sst s0  }
0x9: {  	[smem:$0x3FAE] =	sst s1  }
0xa: {  	[smem:$0x3FAF] =	sst s2  }
0xb: {  	[smem:$0x3FB0] =	sst s3  }
0xc: {  	[smem:$0x3FB1] =	sst s4  }
0xd: {  	[smem:$0x3FB2] =	sst s5  }
0xe: {  	[smem:$0x3FB3] =	sst s6  }
0xf: {  	[smem:$0x3FB4] =	sst s7  }
0x10: {  	[smem:$0x3FB5] =	sst s8  }
0x11: {  	[smem:$0x3FB6] =	sst s9;
	s0 =	simm.s32 @!p0 $0x0  }
0x12: {  	s1 =	sld [smem:$0x3F9C];
	s0 =	simm.s32 @p0 $0x1  }
0x13: {  	[smem:$0x3FB7] =	sst s0;
	s0 =	simm.s32 @!p1 $0x0  }
0x14: {  	s2 =	sld [smem:$0x3F9B];
	s0 =	simm.s32 @p1 $0x1  }
0x15: {  	[smem:$0x3FB8] =	sst s0;
	s0 =	simm.s32 @!p2 $0x0  }
0x16: {  	s3 =	sld [smem:$0x3FDB];
	s0 =	simm.s32 @p2 $0x1  }
0x17: {  	s4 =	simm.s32 $0x1BF5;
	[smem:$0x3FBA] =	sst s0  }
0x18: {  	s0 =	sld [smem:$0x3F9D];
	_ =	swait.ge [sflag:s4], $0x0  }
0x19: {  	s7 =	sld [smem:$0x3F9E]  }
0x1a: {  	s8 =	sadd.s32 $0xFFFFE003, lr  }
0x1b: {  	s9 =	sadd.s32 $0xFFFFFEF7, lr;
	s5 =	simm.s32 $0xFFFFFFFF;
	p2 =	slt.u32 s8, $0xFFFFF086  }
0x1c: {  	p1 =	slt.u32 s9, $0xF7A;
	s5 =	simm.s32 @!p2 $0x0  }
0x1d: {  	s5 =	simm.s32 @p1 $0x1;
	p0 =	seq.s32 s7, s2  }
0x1e: {  	s7 =	smul.u32 @!p0 $0xF7A, s2;
	p2 =	seq.s32 @!p0 s5, $0x0  }
0x1f: {  	s9 =	smul.u32 $0xF7A, s1;
	s8 =	simm.s32 @!p0 $0x1BF5;
	p2 =	por !p2, p0  }
0x20: {  	[sflag:s8] =	ssyncset.s32 @!p0 $0xFFFFF086;
	s6 =	sadd.s32 @!p0 s3, s7;
	s7 =	simm.s32 @!p0 $0x108  }
0x21: {  	s3 =	sadd.s32 s3, s9;
	s6 =	sadd.s32 @!p0 $0x88, s6;
	s7 =	simm.s32 @p2 $0x1082  }
0x22: {  	[simem:s7], [sflag:s8] =	dma.local @!p0 [hbm:s6], $0xF7A  }
0x23: {  	s9 =	sor.u32 $0xD0000000, s2;
	s6 =	simm.s32 $0x108;
	_ =	swait.ge @!p0 [sflag:s8], $0x0  }
0x24: {  	s3 =	sadd.s32 $0x88, s3;
	s6 =	simm.s32 @!p1 $0x1082;
	[sflag:s4] =	ssyncset.s32 $0xFFFFF086  }
0x25: {  	[simem:s6], [sflag:s4] =	dma.local [hbm:s3], $0xF7A  }
0x26: {  	[smem:$0x3F9E] =	sst s1;
	(tag) =	ssettag s2;
	_ =	strace s9  }
0x27: {  	s1 =	sld [smem:$0x3FAE]  }
0x28: {  	s2 =	sld [smem:$0x3FAF]  }
0x29: {  	s4 =	sld [smem:$0x3FB1]  }
0x2a: {  	p0 =	seq.s32 s5, $0x0;
	s5 =	sld [smem:$0x3FB2]  }
0x2b: {  	s6 =	sld [smem:$0x3FB3]  }
0x2c: {  	s7 =	sld [smem:$0x3FB4]  }
0x2d: {  	s3 =	simm.s32 $0x108;
	s8 =	sld [smem:$0x3FB5]  }
0x2e: {  	s3 =	simm.s32 @!p0 $0x1082;
	s9 =	sld [smem:$0x3FB6]  }
0x2f: {  	lr =	sadd.s32 s0, s3;
	s0 =	sld [smem:$0x3FAD]  }
0x30: {  	s3 =	sld [smem:$0x3FB0]  }
0x31: {  	[smem:$0x3FB9] =	sst s10  }
0x32: {  	s10 =	sld [smem:$0x3FB7];
	_ =	sdelay $0x3  }
0x33: {  	p0 =	seq.s32 s10, $0x1;
	s10 =	sld [smem:$0x3FB9];
	_ =	sdelay $0x3  }
0x34: {  	[smem:$0x3FB9] =	sst s10  }
0x35: {  	s10 =	sld [smem:$0x3FB8];
	_ =	sdelay $0x3  }
0x36: {  	p1 =	seq.s32 s10, $0x1;
	s10 =	sld [smem:$0x3FB9];
	_ =	sdelay $0x3  }
0x37: {  	[smem:$0x3FB9] =	sst s10  }
0x38: {  	s10 =	sld [smem:$0x3FBA]  }
0x39: {  	_ = 	snop;
	(pc) =	sbr.ind lr, $3  }
0x3a: {  	_ = 	snop  }
0x3b: {  	_ = 	snop  }
0x3c: {  	p2 =	seq.s32 s10, $0x1;
	s10 =	sld [smem:$0x3FB9]  }
0x3d: {  	_ =	shalt  }
0x3e: {  	_ =	shalt  }
0x3f: {  	_ =	shalt  }
0x40: {  	_ =	shalt  }
0x41: {  	_ =	shalt  }
0x42: {  	_ =	shalt  }
0x43: {  	_ =	shalt  }
0x44: {  	_ =	shalt  }
0x45: {  	_ =	shalt  }
0x46: {  	_ =	shalt  }
0x47: {  	_ =	shalt  }
0x48: {  	_ =	shalt  }
0x49: {  	_ =	shalt  }
0x4a: {  	_ =	shalt  }
0x4b: {  	_ =	shalt  }
0x4c: {  	_ =	shalt  }
0x4d: {  	_ =	shalt  }
0x4e: {  	_ =	shalt  }
0x4f: {  	_ =	shalt  }
0x50: {  	_ =	shalt  }
0x51: {  	_ =	shalt  }
0x52: {  	_ =	shalt  }
0x53: {  	_ =	shalt  }
0x54: {  	_ =	shalt  }
0x55: {  	_ =	shalt  }
0x56: {  	_ =	shalt  }
0x57: {  	_ =	shalt  }
0x58: {  	_ =	shalt  }
0x59: {  	_ =	shalt  }
0x5a: {  	_ =	shalt  }
0x5b: {  	_ =	shalt  }
0x5c: {  	_ =	shalt  }
0x5d: {  	_ =	shalt  }
0x5e: {  	_ =	shalt  }
0x5f: {  	_ =	shalt  }
0x60: {  	_ =	shalt  }
0x61: {  	_ =	shalt  }
0x62: {  	_ =	shalt  }
0x63: {  	_ =	shalt  }
0x64: {  	_ =	shalt  }
0x65: {  	_ =	shalt  }
0x66: {  	_ =	shalt  }
0x67: {  	_ =	shalt  }
0x68: {  	_ =	shalt  }
0x69: {  	_ =	shalt  }
0x6a: {  	_ =	shalt  }
0x6b: {  	_ =	shalt  }
0x6c: {  	_ =	shalt  }
0x6d: {  	_ =	shalt  }
0x6e: {  	_ =	shalt  }
0x6f: {  	_ =	shalt  }
0x70: {  	_ =	shalt  }
0x71: {  	_ =	shalt  }
0x72: {  	_ =	shalt  }
0x73: {  	_ =	shalt  }
0x74: {  	_ =	shalt  }
0x75: {  	_ =	shalt  }
0x76: {  	_ =	shalt  }
0x77: {  	_ =	shalt  }
0x78: {  	_ =	shalt  }
0x79: {  	_ =	shalt  }
0x7a: {  	_ =	shalt  }
0x7b: {  	_ =	shalt  }
0x7c: {  	_ =	shalt  }
0x7d: {  	_ =	shalt  }
0x7e: {  	_ =	shalt  }
0x7f: {  	_ =	shalt  }
0x80: {  	_ =	shalt  }
0x81: {  	_ =	shalt  }
0x82: {  	_ =	shalt  }
0x83: {  	_ =	shalt  }
0x84: {  	_ =	shalt  }
0x85: {  	_ =	shalt  }
0x86: {  	_ =	shalt  }
0x87: {  	_ =	shalt  }
.Lfunc_end0:
.L_simem_size_0:
called_computation_lowered:
.L_overlay_start_0:
0x88: {  	s2 =	sld [smem:$0x3FD9]  }
0x89: {  	s3 =	sld [smem:$0x3FFE];
	_ =	sdelay $0x1  }
0x8a: {  	s1 =	srdreg.scid  }
0x8b: {  	s0 =	sand.u32 $0x1, s1  }
0x8c: {  	s16 =	sshll.u32 s0, $0xA;
	s2 =	sadd.s32 s3, s2  }
0x8d: {  	s2 =	sadd.s32 s2, s16  }
0x8e: {  	[smem:$0x3FC5] =	sst s2  }
0x8f: {  	_ = 	snop  }
0x90: {  	(tm) =	ssettm $0x1  }
0x91: {  	s17 =	sld [smem:$0x3FFB];
	_ =	sdelay $0x3  }
0x92: {  	_ =	strace s17  }
0x93: {  	s2 =	sld [smem:$0x3FFC];
	_ =	sdelay $0x3  }
0x94: {  	_ =	strace s2  }
0x95: {  	s2 =	sld [smem:$0x3FFD];
	_ =	sdelay $0x3  }
0x96: {  	_ =	strace s2  }
0x97: {  	_ =	strace $0x8FFFFFFF  }
0x98: {  	s18 =	sld [smem:$0x3FDB];
	_ =	sdelay $0x1  }
0x99: {  	s19 =	simm.s32 $_scs_section_size  }
0x9a: {  	s4 =	simm.s32 $_size__tile_overlayer_lowered;
	s5 =	simm.s32 $_tile_overlayer_lowered  }
0x9b: {  	s22 =	simm.s32 $0x1BFF;
	s21 =	sshll.u32 s5, $0x1;
	s2 =	sadd.s32 s19, s18  }
0x9c: {  	s6 =	simm.s32 $0x0;
	s20 =	sshll.u32 s4, $0x1;
	s4 =	sadd.s32 s21, s2  }
0x9d: {  	[timem:s6], [sflag:s22] =	dma.local [hbm:s4], s20  }
0x9e: {  	_ =	swait.ge [sflag:s22], s20  }
0x9f: {  	s3 =	ssub.s32 $0x0, s20;
	[sflag:s22] =	ssyncset.done $0x0  }
0xa0: {  	[sflag:s22] =	ssyncadd.s32 s3;
	_ =	sdelay $0x1  }
0xa1: {  	s23 =	simm.s32 $0x1B8B  }
0xa2: {  	_ =	swait.ge [sflag:s23], $0x1  }
0xa3: {  	[sflag:s23] =	ssyncset.done $0x0  }
0xa4: {  	s25 =	simm.s32 $0x1B8E;
	s24 =	sld [smem:$0x3FFE];
	[sflag:s23] =	ssyncadd.s32 $0xFFFFFFFF  }
0xa5: {  	s26 =	simm.s32 $execute0_lowered;
	[smem:$0x3FD2] =	sst s25  }
0xa6: {  	s4 =	sshll.u32 s26, $0x1;
	_ =	strace $0x80000046;
	[dreg:$0x1] =	wrdreg $0xFFFFFFFF  }
0xa7: {  	s28 =	simm.s32 $_size_execute0_lowered;
	s2 =	sadd.s32 s2, s4;
	[dreg:$0x0] =	wrdreg $0x0  }
0xa8: {  	s4 =	sshll.u32 s28, $0x1;
	[dreg:$0x2] =	wrdreg s2  }
0xa9: {  	[dreg:$0x3] =	wrdreg s4  }
0xaa: {  	[dreg:$0x4] =	wrdreg $0xC0  }
0xab: {  	_ =	task [dreg:s6], $0x5FFFF  }
0xac: {  	[dreg:$0x1] =	wrdreg $0xFFFFFFFF  }
0xad: {  	[dreg:$0x0] =	wrdreg $0x60  }
0xae: {  	[dreg:$0x2] =	wrdreg s24  }
0xaf: {  	[dreg:$0x3] =	wrdreg $0x16A000  }
0xb0: {  	[dreg:$0x4] =	wrdreg $0x173000  }
0xb1: {  	[dreg:$0x5] =	wrdreg $0x9  }
0xb2: {  	_ =	task.clear_ibuf [dreg:s6], $0x6FFFF;
	_ =	strace $0x90000046  }
0xb3: {  	s29 =	simm.s32 $0x9;
	_ =	strace $0x80000048  }
0xb4: {  	_ =	swait.ge [sflag:s29], $0x1  }
0xb5: {  	[sflag:s29] =	ssyncadd.s32 $0xFFFFFFFF  }
0xb6: {  	_ =	strace $0x90000048  }
0xb7: {  	_ =	sfence  }
0xb8: {  	s30 =	sld [smem:$0x0];
	_ =	sdelay $0x2  }
0xb9: {  	s31 =	sshll.u32 s1, $0xD;
	s1 =	sshrl.u32 s1, $0x2  }
0xba: {  	s3 =	sand.u32 $0x4000, s31;
	s1 =	sadd.s32 s1, s30  }
0xbb: {  	s0 =	sor.u32 s3, s0;
	s1 =	sshll.u32 s1, $0x11  }
0xbc: {  	s0 =	sor.u32 s1, s0  }
0xbd: {  	s0 =	sadd.s32 $0x8F2B, s0  }
0xbe: {  	[sflag:s0] =	ssyncadd.remote.s32 $0x1  }
0xbf: {  	_ =	sfence.sel $0xFFFF  }
0xc0: {  	[dreg:$0x0] =	wrdreg $0xFFFFFFFF;
	(pc) =	sbr.abs _section_cstart, $3  }
0xc1: {  	[dreg:$0x1] =	wrdreg $0xFFFFFFFF  }
0xc2: {  	_ =	task.clear_ibuf [dreg:s6], $0x2FFFF;
	_ =	strace $0x9FFFFFFF  }
0xc3: {  	(tm) =	ssettm $0x7FFFFFFF  }
tec
execute0_lowered:
.L_overlay_start_1:
0x0: {  	(tag) =	ssettag $0x1  }
0x1: {  	s5 =	rddreg [dreg:$0x0]  }
0x2: {  	s2 =	rddreg [dreg:$0x1];
	s0 =	srdreg.scid  }
0x3: {  	s3 =	rddreg [dreg:$0x2];
	s1 =	stileid.u32  }
0x4: {  	s4 =	simm.s32 $0x0;
	s14 =	simm.s32 $0x16600;
	s15 =	simm.s32 $0x14000  }
0x5: {  	s16 =	simm.s32 $0x2;
	s17 =	simm.s32 $0x10000;
	s18 =	simm.s32 $0x1  }
0x6: {  	s19 =	simm.s32 $0x80;
	s20 =	simm.s32 $0x16800;
	s21 =	simm.s32 $0x16880  }
0x7: {  	s22 =	simm.s32 $0x4000;
	s23 =	simm.s32 $0x16900;
	s24 =	simm.s32 $0x8000  }
0x8: {  	s26 =	simm.s32 $0xC000;
	s28 =	simm.s32 $0x0;
	s6 =	sand.u32 $0x1, s0  }
0x9: {  	s0 =	rddreg [dreg:$0x3];
	s8 =	sshll.u32 s1, $0x9;
	s9 =	smul.u32 $0x2400, s1  }
0xa: {  	[smem:$0x7FF] =	sst s4;
	s31 =	sshrl.u32 s1, $0x3;
	s7 =	sshll.u32 s6, $0xD  }
0xb: {  	s10 =	smul.u32 $0x24000, s6;
	_ =	strace $0x80000047;
	s6 =	ssub.s32 $0x2, s6  }
0xc: {  	s25 =	smul.u32 $0x240, s31;
	s7 =	sor.u32 s8, s7;
	s11 =	sshrl.u32 s6, $0x1  }
0xd: {  	s8 =	sshll.u32 s7, $0x4;
	s7 =	sshrl.u32 s7, $0x3;
	s10 =	sadd.s32 s9, s10  }
0xe: {  	s13 =	ssub.s32 s6, s11;
	v1 =	vmov s25;
	s25 =	simm.s32 $0x16980;
	s10 =	sshrl.u32 s10, $0x3  }
0xf: {  	s8 =	sadd.s32 s8, s5;
	s7 =	sadd.s32 s7, s5;
	s12 =	sadd.s32 s10, s5  }
0x10: {  	s5 =	sadd.s32 $0x1200, s8;
	s6 =	sadd.s32 $0x41200, s7;
	s7 =	sadd.s32 $0x41A00, s7  }
0x11: {  	v0 =	vimm.f32 $0.0e+00;
	vm0 =	vcmask $0x300;
	s8 =	sadd.s32 s9, s2;
	s9 =	sadd.s32 s9, s3;
	s10 =	sadd.s32 $0x42200, s12  }
0x12: {  	v2 =	vsel vm0, $0x3F800000, v0;
	s11 =	sadd.s32 $0x4B200, s12;
	s12 =	smax.u32 s13, $0x1;
	s13 =	simm.s32 $0x16400  }
.LBB2_1:
0x13: {  	[tilespmem:s4], [sflag:$0x1] =	stream.linear.gather [hbm4b:s5+s4], $0x10000, $0x38;
	[tilespmem:$0x17780] =	vst v63  }
0x14: {  	_ = 	snop  }
0x15: {  	[tilespmem:s13], [sflag:$0x1] =	stream.linear.gather [hbm4b:s6+s4], $0x200, $0x38;
	[tilespmem:$0x17780] =	vst v63  }
0x16: {  	s29 =	simm.s32 $0x200;
	s30 =	simm.s32 $0x0  }
0x17: {  	[tilespmem:s14], [sflag:$0x1] =	stream.linear.gather [hbm4b:s7+s4], $0x200, $0x38;
	[tilespmem:$0x17780] =	vst v63  }
.LBB2_2:
0x18: {  	p0 =	sne.s32 s29, $0x8E00;
	[tilespmem:s30+$0x10000] =	vst v0;
	s31 =	smov.u32 s29;
	s29 =	sadd.s32 $0x200, s29  }
.Ltmp0:
0x19: {  	[tilespmem:s30+$0x14000] =	vst v0;
	(pc) =	sbr.rel @p0 .LBB2_2-.Ltmp0, $2  }
0x1a: {  	[tilespmem:s30+$0x14010] =	vst v0;
	_ =	sdelay $0x2  }
0x1b: {  	s30 =	sshra.s32 s31, $0x2  }
0x1c: {  	[tilespmem:s30+$0x10000] =	vst v0  }
0x1d: {  	[tilespmem:s30+$0x14000] =	vst v0  }
0x1e: {  	[tilespmem:s30+$0x14010] =	vst v0  }
0x1f: {  	[spmem:s8] =	stream.linear.scatter [tilespmem:s15], [sflag:$0x2], $0x2400, $0x38;
	[tilespmem:$0x17780] =	vst v63  }
0x20: {  	_ =	swait.ge [sflag:s16], $0x2400  }
0x21: {  	[sflag:s16] =	ssyncset.done $0x0  }
0x22: {  	[sflag:s16] =	ssyncadd.s32 $0xFFFFDC00  }
0x23: {  	[spmem:s9] =	stream.linear.scatter [tilespmem:s17], [sflag:$0x2], $0x2400, $0x38;
	[tilespmem:$0x17780] =	vst v63  }
0x24: {  	_ =	swait.ge [sflag:s16], $0x2400  }
0x25: {  	[sflag:s16] =	ssyncset.done $0x0  }
0x26: {  	s29 =	simm.s32 $0x200;
	s30 =	simm.s32 $0x0;
	[sflag:s16] =	ssyncadd.s32 $0xFFFFDC00  }
.LBB2_4:
0x27: {  	p0 =	sne.s32 s29, $0xFE00;
	[tilespmem:s30+$0x10000] =	vst v2;
	s30 =	smov.u32 s29;
	s29 =	sadd.s32 $0x200, s29  }
.Ltmp1:
0x28: {  	(pc) =	sbr.rel @p0 .LBB2_4-.Ltmp1, $2  }
0x29: {  	_ =	sdelay $0x2  }
0x2a: {  	s30 =	sshra.s32 s30, $0x2  }
0x2b: {  	[tilespmem:s30+$0x10000] =	vst v2  }
0x2c: {  	_ =	swait.ge [sflag:s18], $0x10000  }
0x2d: {  	[sflag:s18] =	ssyncset.done $0x0  }
0x2e: {  	[sflag:s18] =	ssyncadd.s32 $0xFFFF0000  }
0x2f: {  	_ =	swait.ge [sflag:s18], $0x200  }
0x30: {  	[sflag:s18] =	ssyncset.done $0x0  }
0x31: {  	[sflag:s18] =	ssyncadd.s32 $0xFFFFFE00  }
0x32: {  	_ =	swait.ge [sflag:s18], $0x200  }
0x33: {  	[sflag:s18] =	ssyncset.done $0x0  }
0x34: {  	[sflag:s18] =	ssyncadd.s32 $0xFFFFFE00  }
0x35: {  	v3 =	vld [tilespmem:$0x16400]  }
0x36: {  	v4 =	vld [tilespmem:$0x16600]  }
0x37: {  	v5 =	vld [tilespmem:$0x16410]  }
0x38: {  	v6 =	vld [tilespmem:$0x16610]  }
0x39: {  	v7 =	vld [tilespmem:$0x16420]  }
0x3a: {  	v8 =	vld [tilespmem:$0x16620]  }
0x3b: {  	v9 =	vld [tilespmem:$0x16430]  }
0x3c: {  	v10 =	vld [tilespmem:$0x16630]  }
0x3d: {  	v11 =	vld [tilespmem:$0x16440]  }
0x3e: {  	v12 =	vld [tilespmem:$0x16640]  }
0x3f: {  	v13 =	vld [tilespmem:$0x16450]  }
0x40: {  	v14 =	vld [tilespmem:$0x16650]  }
0x41: {  	v15 =	vld [tilespmem:$0x16460]  }
0x42: {  	v16 =	vld [tilespmem:$0x16660]  }
0x43: {  	v17 =	vld [tilespmem:$0x16470]  }
0x44: {  	v18 =	vld [tilespmem:$0x16670]  }
0x45: {  	v19 =	vld [tilespmem:$0x16480]  }
0x46: {  	v20 =	vld [tilespmem:$0x16680]  }
0x47: {  	v21 =	vld [tilespmem:$0x16490]  }
0x48: {  	v22 =	vld [tilespmem:$0x16690]  }
0x49: {  	v23 =	vld [tilespmem:$0x164A0]  }
0x4a: {  	v24 =	vld [tilespmem:$0x166A0]  }
0x4b: {  	v25 =	vld [tilespmem:$0x164B0]  }
0x4c: {  	v26 =	vld [tilespmem:$0x166B0]  }
0x4d: {  	v27 =	vld [tilespmem:$0x164C0]  }
0x4e: {  	v28 =	vld [tilespmem:$0x166C0]  }
0x4f: {  	v29 =	vld [tilespmem:$0x164D0]  }
0x50: {  	v30 =	vld [tilespmem:$0x166D0]  }
0x51: {  	v31 =	vld [tilespmem:$0x164E0]  }
0x52: {  	v32 =	vld [tilespmem:$0x166E0]  }
0x53: {  	v33 =	vld [tilespmem:$0x164F0]  }
0x54: {  	v34 =	vld [tilespmem:$0x166F0]  }
0x55: {  	v35 =	vld [tilespmem:$0x16500]  }
0x56: {  	v36 =	vld [tilespmem:$0x16700]  }
0x57: {  	v37 =	vld [tilespmem:$0x16510]  }
0x58: {  	v38 =	vld [tilespmem:$0x16710]  }
0x59: {  	v39 =	vld [tilespmem:$0x16520]  }
0x5a: {  	v40 =	vld [tilespmem:$0x16720];
	v4 =	vshll.u32 v4, $0x6;
	v3 =	vadd.s32 v1, v3;
	v57 =	vshll.u32 v6, $0x6  }
0x5b: {  	v45 =	vld [tilespmem:$0x16770];
	v5 =	vadd.s32 v1, v5;
	v58 =	vshll.u32 v8, $0x6;
	v3 =	vadd.s32 v4, v3  }
0x5c: {  	v48 =	vld [tilespmem:$0x16580];
	v59 =	vadd.s32 v1, v7;
	v60 =	vshll.u32 v10, $0x6;
	[tilespmem:$0x16800] =	vst v3;
	v3 =	vadd.s32 v57, v5  }
0x5d: {  	v51 =	vld [tilespmem:$0x16780];
	v61 =	vadd.s32 v1, v9;
	v62 =	vshll.u32 v12, $0x6;
	[tilespmem:$0x16810] =	vst v3;
	v3 =	vadd.s32 v58, v59  }
0x5e: {  	v54 =	vld [tilespmem:$0x16590];
	v63 =	vadd.s32 v1, v11;
	v12 =	vshll.u32 v14, $0x6;
	[tilespmem:$0x16820] =	vst v3;
	v3 =	vadd.s32 v60, v61  }
0x5f: {  	v6 =	vld [tilespmem:$0x16530];
	v13 =	vadd.s32 v1, v13;
	v14 =	vshll.u32 v16, $0x6;
	[tilespmem:$0x16830] =	vst v3;
	v3 =	vadd.s32 v62, v63  }
0x60: {  	v7 =	vld [tilespmem:$0x16730];
	v15 =	vadd.s32 v1, v15;
	v16 =	vshll.u32 v18, $0x6;
	[tilespmem:$0x16840] =	vst v3;
	v3 =	vadd.s32 v12, v13  }
0x61: {  	v8 =	vld [tilespmem:$0x16540];
	v17 =	vadd.s32 v1, v17;
	v18 =	vshll.u32 v20, $0x6;
	[tilespmem:$0x16850] =	vst v3;
	v3 =	vadd.s32 v14, v15  }
0x62: {  	v9 =	vld [tilespmem:$0x16740];
	v20 =	vadd.s32 v1, v19;
	v41 =	vshll.u32 v22, $0x6;
	[tilespmem:$0x16860] =	vst v3;
	v3 =	vadd.s32 v16, v17  }
0x63: {  	v10 =	vld [tilespmem:$0x16550];
	v42 =	vadd.s32 v1, v21;
	v43 =	vshll.u32 v24, $0x6;
	[tilespmem:$0x16870] =	vst v3;
	v3 =	vadd.s32 v18, v20  }
0x64: {  	v11 =	vld [tilespmem:$0x16750];
	v44 =	vadd.s32 v1, v23;
	v46 =	vshll.u32 v26, $0x6;
	[tilespmem:$0x16880] =	vst v3;
	v3 =	vadd.s32 v41, v42  }
0x65: {  	v47 =	vadd.s32 v1, v25;
	v49 =	vshll.u32 v28, $0x6;
	v26 =	vld [tilespmem:$0x165B0];
	[tilespmem:$0x16890] =	vst v3;
	v3 =	vadd.s32 v43, v44  }
0x66: {  	v50 =	vadd.s32 v1, v27;
	v53 =	vadd.s32 v1, v29;
	v29 =	vld [tilespmem:$0x167B0];
	[tilespmem:$0x168A0] =	vst v3;
	v3 =	vadd.s32 v46, v47  }
0x67: {  	v52 =	vshll.u32 v30, $0x6;
	v55 =	vshll.u32 v32, $0x6;
	v32 =	vld [tilespmem:$0x165C0];
	[tilespmem:$0x168B0] =	vst v3;
	v3 =	vadd.s32 v49, v50  }
0x68: {  	v56 =	vadd.s32 v1, v31;
	v24 =	vshll.u32 v38, $0x6;
	v38 =	vld [tilespmem:$0x165D0];
	[tilespmem:$0x168C0] =	vst v3;
	v3 =	vadd.s32 v52, v53  }
0x69: {  	v57 =	vld [tilespmem:$0x16790];
	v58 =	vshll.u32 v34, $0x6;
	v59 =	vadd.s32 v1, v33;
	[tilespmem:$0x168D0] =	vst v3;
	v3 =	vadd.s32 v55, v56  }
0x6a: {  	v61 =	vshll.u32 v36, $0x6;
	v62 =	vadd.s32 v1, v35;
	v12 =	vld [tilespmem:$0x16560];
	[tilespmem:$0x168E0] =	vst v3;
	v3 =	vadd.s32 v58, v59  }
0x6b: {  	v25 =	vadd.s32 v1, v37;
	v13 =	vld [tilespmem:$0x16760];
	[tilespmem:$0x168F0] =	vst v3;
	v3 =	vadd.s32 v61, v62  }
0x6c: {  	v27 =	vshll.u32 v40, $0x6;
	v28 =	vadd.s32 v1, v39;
	v14 =	vld [tilespmem:$0x16570];
	[tilespmem:$0x16900] =	vst v3;
	v3 =	vadd.s32 v24, v25  }
0x6d: {  	v60 =	vld [tilespmem:$0x165A0];
	v30 =	vshll.u32 v7, $0x6;
	v31 =	vadd.s32 v1, v6;
	[tilespmem:$0x16910] =	vst v3;
	v3 =	vadd.s32 v27, v28  }
0x6e: {  	v63 =	vld [tilespmem:$0x167A0];
	v33 =	vshll.u32 v9, $0x6;
	v34 =	vadd.s32 v1, v8;
	[tilespmem:$0x16920] =	vst v3;
	v3 =	vadd.s32 v30, v31  }
0x6f: {  	v35 =	vld [tilespmem:$0x167C0];
	v36 =	vshll.u32 v11, $0x6;
	v37 =	vadd.s32 v1, v10;
	[tilespmem:$0x16930] =	vst v3;
	v3 =	vadd.s32 v33, v34  }
0x70: {  	v41 =	vld [tilespmem:$0x167D0];
	v39 =	vshll.u32 v13, $0x6;
	v40 =	vadd.s32 v1, v12;
	[tilespmem:$0x16940] =	vst v3;
	v3 =	vadd.s32 v36, v37  }
0x71: {  	v42 =	vshll.u32 v45, $0x6;
	v44 =	vld [tilespmem:$0x165E0];
	v43 =	vadd.s32 v1, v14;
	[tilespmem:$0x16950] =	vst v3;
	v3 =	vadd.s32 v39, v40  }
0x72: {  	v45 =	vshll.u32 v51, $0x6;
	v46 =	vadd.s32 v1, v48;
	v47 =	vld [tilespmem:$0x167E0];
	[tilespmem:$0x16960] =	vst v3;
	v3 =	vadd.s32 v42, v43  }
0x73: {  	v48 =	vshll.u32 v57, $0x6;
	v49 =	vadd.s32 v1, v54;
	v50 =	vld [tilespmem:$0x165F0];
	[tilespmem:$0x16970] =	vst v3;
	v3 =	vadd.s32 v45, v46  }
0x74: {  	v51 =	vshll.u32 v63, $0x6;
	v52 =	vadd.s32 v1, v60;
	v53 =	vld [tilespmem:$0x167F0];
	[tilespmem:$0x16980] =	vst v3;
	v3 =	vadd.s32 v48, v49  }
0x75: {  	v54 =	vshll.u32 v29, $0x6;
	v55 =	vadd.s32 v1, v26;
	[tilespmem:$0x16990] =	vst v3;
	v3 =	vadd.s32 v51, v52  }
0x76: {  	v57 =	vadd.s32 v1, v32;
	v56 =	vshll.u32 v35, $0x6;
	[tilespmem:$0x169A0] =	vst v3;
	v3 =	vadd.s32 v54, v55  }
0x77: {  	v58 =	vshll.u32 v41, $0x6;
	v59 =	vadd.s32 v1, v38;
	[tilespmem:$0x169B0] =	vst v3;
	v3 =	vadd.s32 v56, v57  }
0x78: {  	v60 =	vshll.u32 v47, $0x6;
	v61 =	vadd.s32 v1, v44;
	[tilespmem:$0x169C0] =	vst v3;
	v3 =	vadd.s32 v58, v59  }
0x79: {  	v63 =	vadd.s32 v1, v50;
	v62 =	vshll.u32 v53, $0x6;
	[tilespmem:$0x169D0] =	vst v3;
	v3 =	vadd.s32 v60, v61  }
0x7a: {  	[tilespmem:$0x169E0] =	vst v3;
	v3 =	vadd.s32 v62, v63  }
0x7b: {  	[tilespmem:$0x169F0] =	vst v3  }
0x7c: {  	[bflag:$0x0] =	sbarrier.arrive $0xFFFF  }
0x7d: {  	[spmem:s2] =	stream.indirect.scatter.add.f32 [tilespmem:s4], [sflag:$0x2], $0x20, s20, s19, $0xb8;
	[tilespmem:$0x17780] =	vst v63  }
0x7e: {  	_ =	swait.ge [sflag:s16], $0x1000  }
0x7f: {  	[sflag:s16] =	ssyncset.done $0x0  }
0x80: {  	[sflag:s16] =	ssyncadd.s32 $0xFFFFF000  }
0x81: {  	[spmem:s3] =	stream.indirect.scatter.add.f32 [tilespmem:s17], [sflag:$0x2], $0x10, s20, s19, $0xb8;
	[tilespmem:$0x17780] =	vst v63  }
0x82: {  	_ =	swait.ge [sflag:s16], $0x800  }
0x83: {  	[sflag:s16] =	ssyncset.done $0x0  }
0x84: {  	[sflag:s16] =	ssyncadd.s32 $0xFFFFF800  }
0x85: {  	[spmem:s2] =	stream.indirect.scatter.add.f32 [tilespmem:s22], [sflag:$0x2], $0x20, s21, s19, $0xb8;
	[tilespmem:$0x17780] =	vst v63  }
0x86: {  	_ =	swait.ge [sflag:s16], $0x1000  }
0x87: {  	[sflag:s16] =	ssyncset.done $0x0  }
0x88: {  	[sflag:s16] =	ssyncadd.s32 $0xFFFFF000  }
0x89: {  	[spmem:s3] =	stream.indirect.scatter.add.f32 [tilespmem:s17], [sflag:$0x2], $0x10, s21, s19, $0xb8;
	[tilespmem:$0x17780] =	vst v63  }
0x8a: {  	_ =	swait.ge [sflag:s16], $0x800  }
0x8b: {  	[sflag:s16] =	ssyncset.done $0x0  }
0x8c: {  	[sflag:s16] =	ssyncadd.s32 $0xFFFFF800  }
0x8d: {  	[spmem:s2] =	stream.indirect.scatter.add.f32 [tilespmem:s24], [sflag:$0x2], $0x20, s23, s19, $0xb8;
	[tilespmem:$0x17780] =	vst v63  }
0x8e: {  	_ =	swait.ge [sflag:s16], $0x1000  }
0x8f: {  	[sflag:s16] =	ssyncset.done $0x0  }
0x90: {  	[sflag:s16] =	ssyncadd.s32 $0xFFFFF000  }
0x91: {  	[spmem:s3] =	stream.indirect.scatter.add.f32 [tilespmem:s17], [sflag:$0x2], $0x10, s23, s19, $0xb8;
	[tilespmem:$0x17780] =	vst v63  }
0x92: {  	_ =	swait.ge [sflag:s16], $0x800  }
0x93: {  	[sflag:s16] =	ssyncset.done $0x0  }
0x94: {  	[sflag:s16] =	ssyncadd.s32 $0xFFFFF800  }
0x95: {  	[spmem:s2] =	stream.indirect.scatter.add.f32 [tilespmem:s26], [sflag:$0x2], $0x20, s25, s19, $0xb8;
	[tilespmem:$0x17780] =	vst v63  }
0x96: {  	_ =	swait.ge [sflag:s16], $0x1000  }
0x97: {  	[sflag:s16] =	ssyncset.done $0x0  }
0x98: {  	[sflag:s16] =	ssyncadd.s32 $0xFFFFF000  }
0x99: {  	[spmem:s3] =	stream.indirect.scatter.add.f32 [tilespmem:s17], [sflag:$0x2], $0x10, s25, s19, $0xb8;
	[tilespmem:$0x17780] =	vst v63  }
0x9a: {  	_ =	swait.ge [sflag:s16], $0x800  }
0x9b: {  	[sflag:s16] =	ssyncset.done $0x0  }
0x9c: {  	s29 =	sshll.u32 s1, $0x6;
	[sflag:s16] =	ssyncadd.s32 $0xFFFFF800  }
0x9d: {  	s31 =	sshrl.u32 s8, $0x3;
	s29 =	sor.u32 $0x1C02, s29;
	[bflag:$0x0] =	sbarrier.arrive $0xFFFF  }
0x9e: {  	[hbm:s10], [sflag:s29] =	dma.local [spmem:s31], $0x480  }
0x9f: {  	s28 =	sadd.s32 $0x1, s28;
	_ =	swait.ge [sflag:s16], $0x480  }
0xa0: {  	p0 =	sne.s32 s28, s12;
	[sflag:s16] =	ssyncset.done $0x0  }
.Ltmp2:
0xa1: {  	s31 =	sshrl.u32 s9, $0x3;
	[sflag:s16] =	ssyncadd.s32 $0xFFFFFB80;
	(pc) =	sbr.rel @p0 .LBB2_1-.Ltmp2, $4  }
0xa2: {  	[hbm:s11], [sflag:s29] =	dma.local [spmem:s31], $0x480  }
0xa3: {  	_ =	swait.ge [sflag:s16], $0x480  }
0xa4: {  	[sflag:s16] =	ssyncset.done $0x0  }
0xa5: {  	[sflag:s16] =	ssyncadd.s32 $0xFFFFFB80  }
0xa6: {  	_ =	sfence.sel $0x180000  }
0xa7: {  	[bflag:$0x0] =	sbarrier.arrive $0xFFFF  }
0xa8: {  	p0 =	sne.s32 s1, $0x0;
	_ =	strace $0x90000047  }
0xa9: {  	s0 =	sadd.s32 @!p0 $0x100000, s0;
	[bflag:$0x2] =	sbarrier.arrive $0xFFFF  }
0xaa: {  	[sflag:s0] =	ssyncadd.tile.s32 @!p0 $0x1;
	_ =	shalt  }
.Lfunc_end2:
_tile_overlayer_lowered:
.L_overlay_start_2:
0xab: {  	(tag) =	ssettag $0x2  }
0xac: {  	s0 =	rddreg [dreg:$0x0];
	s2 =	stileid.u32  }
0xad: {  	s1 =	rddreg [dreg:$0x1];
	p0 =	sne.s32 s2, $0x0  }
0xae: {  	s3 =	rddreg [dreg:$0x2];
	[bflag:$0x3] =	sbarrier.arrive $0xFFFF;
	s2 =	simm.s32 @!p0 $0x1C02  }
0xaf: {  	[timem:s3], [sflag:s2] =	dma.local @!p0 [hbm:s0], s1  }
0xb0: {  	s0 =	simm.s32 @!p0 $0x2  }
0xb1: {  	_ =	swait.ge @!p0 [sflag:s0], s1  }
0xb2: {  	s1 =	ssub.s32 @!p0 $0x0, s1;
	[sflag:s0] =	ssyncset.done @!p0 $0x0  }
0xb3: {  	[sflag:s0] =	ssyncadd.s32 @!p0 s1  }
0xb4: {  	[bflag:$0x3] =	sbarrier.arrive $0xFFFF  }
0xb5: {  	_ =	shalt  }

</sc_bundles>
